<compile_context>
chip_gen: v7x
topology: tpu7x:2x2x1
jax: 0.10.2.dev20260603
libtpu: 0.0.44.dev20260713+nightly
codegen_flags: <defaults>
</compile_context>

<pallas_src>
import jax
import jax.numpy as jnp
from jax import lax
from jax.experimental import pallas as pl
from jax.experimental.pallas import tpu as pltpu
from jax.experimental.pallas import tpu_sc as plsc

W3, H3, D3 = 60, 36, 60
V = W3 * H3 * D3
BS, C, N = 4, 64, 19200
QUART = V // 4
NVEC = N // 16
CG = 32
LCAP = N + 16
G = 60
NG = NVEC // G


def _body(x_hbm, i_hbm, out_hbm, idx_v, list_v, src_v, slab_a, slab_b,
          sem_a, sem_b):
    wid = lax.axis_index("s") * 2 + lax.axis_index("c")
    b = wid // 8
    quarter = (wid // 2) % 4
    c0 = (wid % 2) * CG
    lo = quarter * QUART
    iota16 = lax.iota(jnp.int32, 16)
    zeros16 = jnp.zeros((16,), jnp.float32)
    false16 = jnp.zeros((16,), jnp.bool_)

    pltpu.sync_copy(i_hbm.at[pl.ds(pl.multiple_of(b * N, 16), N)], idx_v)

    def prep(j, off):
        v = idx_v[pl.ds(j * 16, 16)]
        t = ((v >> 2) * 34953) >> 19
        d = v - t * 60
        w = ((t >> 2) * 7282) >> 16
        h = t - w * 36
        vp = d * 2160 + h * 60 + w - lo
        m = (vp >= 0) & (vp < QUART)
        packed = vp * 32768 + (iota16 + j * 16)
        rank = plsc.cumsum(jnp.where(m, 1, 0))
        plsc.store_scatter(list_v, [off + rank - 1], packed, mask=m)
        return off + plsc.all_reduce_population_count(m)

    off = lax.fori_loop(0, NVEC, prep, jnp.zeros((16,), jnp.int32))
    cnt_s = off[0]

    def zero(i, cz):
        base = i * 80
        for k in range(0, 80, 16):
            slab_a[pl.ds(base + k, 16)] = zeros16
            slab_b[pl.ds(base + k, 16)] = zeros16
        return cz

    lax.fori_loop(0, QUART // 80, zero, 0)

    def run_channel(c, slab_v, first):
        src_off = pl.multiple_of((b * C + c) * N, 16)
        pltpu.sync_copy(x_hbm.at[pl.ds(src_off, N)], src_v)

        @pl.when(jnp.logical_not(first))
        def _clear():
            def clr(j, cc):
                p = list_v[pl.ds(j * 16, 16)]
                tail = (iota16 + j * 16) < off
                plsc.store_scatter(slab_v, [p >> 15], zeros16, mask=tail)
                return cc

            def clr_group(g, cc):
                @pl.when(g * (G * 16) < cnt_s)
                def _g():
                    lax.fori_loop(g * G, (g + 1) * G, clr, 0)
                return cc

            lax.fori_loop(0, NG, clr_group, 0)

        def mrg(j, dacc):
            p = list_v[pl.ds(j * 16, 16)]
            kk = p >> 15
            n = p & 32767
            tail = (iota16 + j * 16) < off
            val = plsc.load_gather(src_v, [n], mask=tail)
            cur = plsc.load_gather(slab_v, [kk], mask=tail)
            plsc.store_scatter(slab_v, [kk], jnp.maximum(cur, val), mask=tail)
            back = plsc.load_gather(slab_v, [kk], mask=tail)
            return dacc | (tail & (back < val))

        def fix(j, cf):
            p = list_v[pl.ds(j * 16, 16)]
            kk = p >> 15
            n = p & 32767
            tail = (iota16 + j * 16) < off
            val = plsc.load_gather(src_v, [n], mask=tail)
            back = plsc.load_gather(slab_v, [kk], mask=tail)
            m1 = tail & (back < val)

            @pl.when(jnp.any(m1))
            def _rounds():
                def rnd(r, m):
                    c2 = plsc.load_gather(slab_v, [kk], mask=m)
                    plsc.store_scatter(slab_v, [kk], jnp.maximum(c2, val), mask=m)
                    b2 = plsc.load_gather(slab_v, [kk], mask=m)
                    return m & (b2 < val)

                lax.fori_loop(0, 16, rnd, m1)

            return cf

        def group(g, cg_):
            @pl.when(g * (G * 16) < cnt_s)
            def _g():
                dirty = lax.fori_loop(g * G, (g + 1) * G, mrg, false16)

                @pl.when(jnp.any(dirty))
                def _fixgroup():
                    lax.fori_loop(g * G, (g + 1) * G, fix, 0)

            return cg_

        lax.fori_loop(0, NG, group, 0)

    def out_ref_for(c):
        out_off = pl.multiple_of((b * C + c) * V + lo, 16)
        return out_hbm.at[pl.ds(out_off, QUART)]

    def pair(i, carry):
        c_even = c0 + 2 * i
        c_odd = c_even + 1

        @pl.when(i > 0)
        def _wa():
            pltpu.make_async_copy(slab_a, out_ref_for(c_even), sem_a).wait()

        run_channel(c_even, slab_a, i == 0)
        pltpu.async_copy(slab_a, out_ref_for(c_even), sem_a)

        @pl.when(i > 0)
        def _wb():
            pltpu.make_async_copy(slab_b, out_ref_for(c_odd), sem_b).wait()

        run_channel(c_odd, slab_b, i == 0)
        pltpu.async_copy(slab_b, out_ref_for(c_odd), sem_b)
        return carry

    lax.fori_loop(0, CG // 2, pair, 0)
    pltpu.make_async_copy(slab_a, out_ref_for(c0), sem_a).wait()
    pltpu.make_async_copy(slab_b, out_ref_for(c0), sem_b).wait()


@jax.jit
def _scatter3d(x, ind):
    mesh = plsc.VectorSubcoreMesh(
        core_axis_name="c", subcore_axis_name="s", num_cores=2, num_subcores=16
    )
    return pl.kernel(
        _body,
        out_type=jax.ShapeDtypeStruct((BS * C * V,), jnp.float32),
        mesh=mesh,
        compiler_params=pltpu.CompilerParams(needs_layout_passes=False),
        scratch_types=[
            pltpu.VMEM((N,), jnp.int32),
            pltpu.VMEM((LCAP,), jnp.int32),
            pltpu.VMEM((N,), jnp.float32),
            pltpu.VMEM((QUART,), jnp.float32),
            pltpu.VMEM((QUART,), jnp.float32),
            pltpu.SemaphoreType.DMA,
            pltpu.SemaphoreType.DMA,
        ],
    )(x, ind)


def kernel(x2d, idx):
    x = x2d.reshape(BS * C * N)
    ind = idx.reshape(BS * N).astype(jnp.int32)
    out = _scatter3d(x, ind)
    return out.reshape(BS, C, D3, H3, W3)

# --- scband reference (transcript-rebuilt; emitter-appended) ---
"""Pipeline reference for scband-project2-dto3-d-36919538876790 (READ-ONLY COPY).

The authoritative reference and input builder live on the scoring server;
editing this copy changes nothing except your own understanding.
"""

import jax, jax.numpy as jnp
import numpy as np

W3, H3, D3 = 60, 36, 60
V = W3 * H3 * D3


def setup_inputs(seed: int = 0) -> dict:
    key = jax.random.key(seed)
    k1, k2 = jax.random.split(key)
    x2d = jax.random.normal(k1, (4, 64, 120, 160), dtype=jnp.float32)
    idx = jax.random.randint(k2, (4, 120, 160), 0, V, dtype=jnp.int32).astype(jnp.int64)
    return {"x2d": x2d, "idx": idx}


def reference(x2d, idx):
    bs, c = x2d.shape[0], x2d.shape[1]
    src = x2d.reshape(bs, c, -1)                  # [bs, c, N]
    idxf = idx.reshape(bs, -1)                    # [bs, N]
    b = jnp.arange(bs)[:, None, None]             # [bs, 1, 1]
    ch = jnp.arange(c)[None, :, None]             # [1, c, 1]
    ix = idxf[:, None, :]                         # [bs, 1, N] broadcast over c (matches idx.expand(-1, c, -1))
    # torch_scatter.scatter_max with out=zeros: out[v] = max(0, max_{n: idx[n]==v} src[n])
    x3d = jnp.zeros((bs, c, V), dtype=x2d.dtype).at[b, ch, ix].max(src)
    x3d = x3d.reshape(bs, c, W3, H3, D3)
    x3d = jnp.transpose(x3d, (0, 1, 4, 3, 2))
    return x3d

if __name__ == "__main__":
    import jax
    _d = setup_inputs()
    print(jax.jit(kernel)(*tuple(_d.values())))

</pallas_src>

<mosaic_0001>
#map = affine_map<(d0, d1) -> (0)>
module attributes {stable_mosaic.version = 14 : i64} {
  func.func @_body(%arg0: i32, %arg1: i32, %arg2: memref<4915200xf32, #tpu.memory_space<hbm>>, %arg3: memref<76800xi32, #tpu.memory_space<hbm>>, %arg4: memref<33177600xf32, #tpu.memory_space<hbm>>, %arg5: memref<19200xi32, #tpu.memory_space<vmem>>, %arg6: memref<19216xi32, #tpu.memory_space<vmem>>, %arg7: memref<19200xf32, #tpu.memory_space<vmem>>, %arg8: memref<32400xf32, #tpu.memory_space<vmem>>, %arg9: memref<32400xf32, #tpu.memory_space<vmem>>, %arg10: memref<!tpu.dma_semaphore, #tpu.memory_space<semaphore_mem>>, %arg11: memref<!tpu.dma_semaphore, #tpu.memory_space<semaphore_mem>>) attributes {dimension_semantics = [#tpu.dimension_semantics<core_parallel>, #tpu.dimension_semantics<subcore_parallel>], iteration_bounds = array<i64: 2, 16>, scalar_prefetch = 0 : i64, scratch_operands = 7 : i64, tpu.core_type = #tpu.core_type<sc_vector_subcore>, window_params = [{transform_indices = #map}, {transform_indices = #map}, {transform_indices = #map}]} {
    %mul3A = arith.constant 2 : i32
    %mul3A_0 = arith.muli %arg1, %mul3A : i32
    %add3A = arith.addi %mul3A_0, %arg0 : i32
    %jit3A = arith.constant 8 : i32
    %div3A = arith.divsi %add3A, %jit3A : i32
    %sign3A = arith.constant 0 : i32
    %sign3A_1 = arith.cmpi sgt, %add3A, %sign3A : i32
    %sign3A_2 = arith.extui %sign3A_1 : i1 to i32
    %sign3A_3 = arith.constant 0 : i32
    %sign3A_4 = arith.cmpi slt, %add3A, %sign3A_3 : i32
    %sign3A_5 = arith.extui %sign3A_4 : i1 to i32
    %sign3A_6 = arith.subi %sign3A_2, %sign3A_5 : i32
    %sign3A_7 = arith.constant 0 : i32
    %sign3A_8 = arith.cmpi sgt, %jit3A, %sign3A_7 : i32
    %sign3A_9 = arith.extui %sign3A_8 : i1 to i32
    %sign3A_10 = arith.constant 0 : i32
    %sign3A_11 = arith.cmpi slt, %jit3A, %sign3A_10 : i32
    %sign3A_12 = arith.extui %sign3A_11 : i1 to i32
    %sign3A_13 = arith.subi %sign3A_9, %sign3A_12 : i32
    %ne3A = arith.cmpi ne, %sign3A_6, %sign3A_13 : i32
    %rem3A = arith.remsi %add3A, %jit3A : i32
    %ne3A_14 = arith.constant 0 : i32
    %ne3A_15 = arith.cmpi ne, %rem3A, %ne3A_14 : i32
    %and3A = arith.andi %ne3A, %ne3A_15 : i1
    %sub3A = arith.constant 1 : i32
    %sub3A_16 = arith.subi %div3A, %sub3A : i32
    %select_n3A = arith.select %and3A, %sub3A_16, %div3A : i32
    %jit3A_17 = arith.constant 2 : i32
    %div3A_18 = arith.divsi %add3A, %jit3A_17 : i32
    %sign3A_19 = arith.constant 0 : i32
    %sign3A_20 = arith.cmpi sgt, %add3A, %sign3A_19 : i32
    %sign3A_21 = arith.extui %sign3A_20 : i1 to i32
    %sign3A_22 = arith.constant 0 : i32
    %sign3A_23 = arith.cmpi slt, %add3A, %sign3A_22 : i32
    %sign3A_24 = arith.extui %sign3A_23 : i1 to i32
    %sign3A_25 = arith.subi %sign3A_21, %sign3A_24 : i32
    %sign3A_26 = arith.constant 0 : i32
    %sign3A_27 = arith.cmpi sgt, %jit3A_17, %sign3A_26 : i32
    %sign3A_28 = arith.extui %sign3A_27 : i1 to i32
    %sign3A_29 = arith.constant 0 : i32
    %sign3A_30 = arith.cmpi slt, %jit3A_17, %sign3A_29 : i32
    %sign3A_31 = arith.extui %sign3A_30 : i1 to i32
    %sign3A_32 = arith.subi %sign3A_28, %sign3A_31 : i32
    %ne3A_33 = arith.cmpi ne, %sign3A_25, %sign3A_32 : i32
    %rem3A_34 = arith.remsi %add3A, %jit3A_17 : i32
    %ne3A_35 = arith.constant 0 : i32
    %ne3A_36 = arith.cmpi ne, %rem3A_34, %ne3A_35 : i32
    %and3A_37 = arith.andi %ne3A_33, %ne3A_36 : i1
    %sub3A_38 = arith.constant 1 : i32
    %sub3A_39 = arith.subi %div3A_18, %sub3A_38 : i32
    %select_n3A_40 = arith.select %and3A_37, %sub3A_39, %div3A_18 : i32
    %jit3A_41 = arith.constant 4 : i32
    %eq3A = arith.constant 0 : i32
    %eq3A_42 = arith.cmpi eq, %jit3A_41, %eq3A : i32
    %jit3A_43 = arith.constant 1 : i32
    %select_n3A_44 = arith.select %eq3A_42, %jit3A_43, %jit3A_41 : i32
    %rem3A_45 = arith.remsi %select_n3A_40, %select_n3A_44 : i32
    %ne3A_46 = arith.constant 0 : i32
    %ne3A_47 = arith.cmpi ne, %rem3A_45, %ne3A_46 : i32
    %lt3A = arith.constant 0 : i32
    %lt3A_48 = arith.cmpi slt, %rem3A_45, %lt3A : i32
    %lt3A_49 = arith.constant 0 : i32
    %lt3A_50 = arith.cmpi slt, %select_n3A_44, %lt3A_49 : i32
    %ne3A_51 = arith.xori %lt3A_48, %lt3A_50 : i1
    %and3A_52 = arith.andi %ne3A_51, %ne3A_47 : i1
    %add3A_53 = arith.addi %rem3A_45, %select_n3A_44 : i32
    %select_n3A_54 = arith.select %and3A_52, %add3A_53, %rem3A_45 : i32
    %jit3A_55 = arith.constant 2 : i32
    %eq3A_56 = arith.constant 0 : i32
    %eq3A_57 = arith.cmpi eq, %jit3A_55, %eq3A_56 : i32
    %jit3A_58 = arith.constant 1 : i32
    %select_n3A_59 = arith.select %eq3A_57, %jit3A_58, %jit3A_55 : i32
    %rem3A_60 = arith.remsi %add3A, %select_n3A_59 : i32
    %ne3A_61 = arith.constant 0 : i32
    %ne3A_62 = arith.cmpi ne, %rem3A_60, %ne3A_61 : i32
    %lt3A_63 = arith.constant 0 : i32
    %lt3A_64 = arith.cmpi slt, %rem3A_60, %lt3A_63 : i32
    %lt3A_65 = arith.constant 0 : i32
    %lt3A_66 = arith.cmpi slt, %select_n3A_59, %lt3A_65 : i32
    %ne3A_67 = arith.xori %lt3A_64, %lt3A_66 : i1
    %and3A_68 = arith.andi %ne3A_67, %ne3A_62 : i1
    %add3A_69 = arith.addi %rem3A_60, %select_n3A_59 : i32
    %select_n3A_70 = arith.select %and3A_68, %add3A_69, %rem3A_60 : i32
    %mul3A_71 = arith.constant 32 : i32
    %mul3A_72 = arith.muli %select_n3A_70, %mul3A_71 : i32
    %mul3A_73 = arith.constant 32400 : i32
    %mul3A_74 = arith.muli %select_n3A_54, %mul3A_73 : i32
    %iota3A = tpu.iota {dimensions = array<i32: 0>} : vector<16xi32>
    %broadcast_in_dim3A = arith.constant 0.000000e+00 : f32
    %broadcast_in_dim3A_75 = vector.broadcast %broadcast_in_dim3A : f32 to vector<16xf32>
    %broadcast_in_dim3A_76 = arith.constant false
    %broadcast_in_dim3A_77 = vector.broadcast %broadcast_in_dim3A_76 : i1 to vector<16xi1>
    %mul3A_78 = arith.constant 19200 : i32
    %mul3A_79 = arith.muli %select_n3A, %mul3A_78 : i32
    %multiple_of3A = tpu.assume_multiple %mul3A_79, 16 : i32
    "tpu.region"() ({
      %run_scoped3A = tpu.sem_alloc : memref<!tpu.dma_semaphore, #tpu.memory_space<semaphore_mem>>
      %dma_start3A = tpu.memref_slice %arg3[%multiple_of3A] : memref<76800xi32, #tpu.memory_space<hbm>> -> memref<19200xi32, #tpu.memory_space<hbm>>
      %dma_start3A_116 = tpu.memref_slice %arg3[%multiple_of3A] : memref<76800xi32, #tpu.memory_space<hbm>> -> memref<19200xi32, #tpu.memory_space<hbm>>
      tpu.enqueue_dma source(%dma_start3A_116 : memref<19200xi32, #tpu.memory_space<hbm>>) target(%arg5 : memref<19200xi32, #tpu.memory_space<vmem>>) target_semaphore(%run_scoped3A : memref<!tpu.dma_semaphore, #tpu.memory_space<semaphore_mem>>)
      %dma_wait3A_117 = tpu.memref_slice %arg3[%multiple_of3A] : memref<76800xi32, #tpu.memory_space<hbm>> -> memref<19200xi32, #tpu.memory_space<hbm>>
      %dma_wait3A_118 = tpu.memref_slice %arg3[%multiple_of3A] : memref<76800xi32, #tpu.memory_space<hbm>> -> memref<19200xi32, #tpu.memory_space<hbm>>
      tpu.wait_dma2 semaphore(%run_scoped3A : memref<!tpu.dma_semaphore, #tpu.memory_space<semaphore_mem>>) src(%dma_wait3A_118 : memref<19200xi32, #tpu.memory_space<hbm>>) dst(%arg5 : memref<19200xi32, #tpu.memory_space<vmem>>)
      tpu.yield
    }) : () -> ()
    %broadcast_in_dim3A_80 = arith.constant 0 : i32
    %broadcast_in_dim3A_81 = vector.broadcast %broadcast_in_dim3A_80 : i32 to vector<16xi32>
    %scan3A = arith.constant 0 : i32
    %scan3A_82 = arith.constant 1200 : i32
    %scan3A_83 = arith.addi %scan3A, %scan3A_82 : i32
    %scan3A_84 = arith.constant 1 : i32
    %scan3A_85 = scf.for %scan3A_116 = %scan3A to %scan3A_83 step %scan3A_84 iter_args(%scan3A_117 = %broadcast_in_dim3A_81) -> (vector<16xi32>)  : i32 {
      %mul3A_118 = arith.constant 16 : i32
      %mul3A_119 = arith.muli %scan3A_116, %mul3A_118 : i32
      %get3A = arith.index_cast %mul3A_119 : i32 to index
      %get3A_120 = tpu.vector_load %arg5[%get3A] {strides = array<i32>} : memref<19200xi32, #tpu.memory_space<vmem>>, vector<16xi32>,
      %shift_right_arithmetic3A = arith.constant 2 : i32
      %shift_right_arithmetic3A_121 = vector.broadcast %shift_right_arithmetic3A : i32 to vector<16xi32>
      %shift_right_arithmetic3A_122 = arith.shrsi %get3A_120, %shift_right_arithmetic3A_121 : vector<16xi32>
      %mul3A_123 = arith.constant 34953 : i32
      %mul3A_124 = vector.broadcast %mul3A_123 : i32 to vector<16xi32>
      %mul3A_125 = arith.muli %shift_right_arithmetic3A_122, %mul3A_124 : vector<16xi32>
      %shift_right_arithmetic3A_126 = arith.constant 19 : i32
      %shift_right_arithmetic3A_127 = vector.broadcast %shift_right_arithmetic3A_126 : i32 to vector<16xi32>
      %shift_right_arithmetic3A_128 = arith.shrsi %mul3A_125, %shift_right_arithmetic3A_127 : vector<16xi32>
      %mul3A_129 = arith.constant 60 : i32
      %mul3A_130 = vector.broadcast %mul3A_129 : i32 to vector<16xi32>
      %mul3A_131 = arith.muli %shift_right_arithmetic3A_128, %mul3A_130 : vector<16xi32>
      %sub3A_132 = arith.subi %get3A_120, %mul3A_131 : vector<16xi32>
      %shift_right_arithmetic3A_133 = arith.constant 2 : i32
      %shift_right_arithmetic3A_134 = vector.broadcast %shift_right_arithmetic3A_133 : i32 to vector<16xi32>
      %shift_right_arithmetic3A_135 = arith.shrsi %shift_right_arithmetic3A_128, %shift_right_arithmetic3A_134 : vector<16xi32>
      %mul3A_136 = arith.constant 7282 : i32
      %mul3A_137 = vector.broadcast %mul3A_136 : i32 to vector<16xi32>
      %mul3A_138 = arith.muli %shift_right_arithmetic3A_135, %mul3A_137 : vector<16xi32>
      %shift_right_arithmetic3A_139 = arith.constant 16 : i32
      %shift_right_arithmetic3A_140 = vector.broadcast %shift_right_arithmetic3A_139 : i32 to vector<16xi32>
      %shift_right_arithmetic3A_141 = arith.shrsi %mul3A_138, %shift_right_arithmetic3A_140 : vector<16xi32>
      %mul3A_142 = arith.constant 36 : i32
      %mul3A_143 = vector.broadcast %mul3A_142 : i32 to vector<16xi32>
      %mul3A_144 = arith.muli %shift_right_arithmetic3A_141, %mul3A_143 : vector<16xi32>
      %sub3A_145 = arith.subi %shift_right_arithmetic3A_128, %mul3A_144 : vector<16xi32>
      %mul3A_146 = arith.constant 2160 : i32
      %mul3A_147 = vector.broadcast %mul3A_146 : i32 to vector<16xi32>
      %mul3A_148 = arith.muli %sub3A_132, %mul3A_147 : vector<16xi32>
      %mul3A_149 = arith.constant 60 : i32
      %mul3A_150 = vector.broadcast %mul3A_149 : i32 to vector<16xi32>
      %mul3A_151 = arith.muli %sub3A_145, %mul3A_150 : vector<16xi32>
      %add3A_152 = arith.addi %mul3A_148, %mul3A_151 : vector<16xi32>
      %add3A_153 = arith.addi %add3A_152, %shift_right_arithmetic3A_141 : vector<16xi32>
      %sub3A_154 = vector.broadcast %mul3A_74 : i32 to vector<16xi32>
      %sub3A_155 = arith.subi %add3A_153, %sub3A_154 : vector<16xi32>
      %ge3A = arith.constant 0 : i32
      %ge3A_156 = vector.broadcast %ge3A : i32 to vector<16xi32>
      %ge3A_157 = arith.cmpi sge, %sub3A_155, %ge3A_156 : vector<16xi32>
      %lt3A_158 = arith.constant 32400 : i32
      %lt3A_159 = vector.broadcast %lt3A_158 : i32 to vector<16xi32>
      %lt3A_160 = arith.cmpi slt, %sub3A_155, %lt3A_159 : vector<16xi32>
      %and3A_161 = arith.andi %ge3A_157, %lt3A_160 : vector<16xi1>
      %mul3A_162 = arith.constant 32768 : i32
      %mul3A_163 = vector.broadcast %mul3A_162 : i32 to vector<16xi32>
      %mul3A_164 = arith.muli %sub3A_155, %mul3A_163 : vector<16xi32>
      %mul3A_165 = arith.constant 16 : i32
      %mul3A_166 = arith.muli %scan3A_116, %mul3A_165 : i32
      %add3A_167 = vector.broadcast %mul3A_166 : i32 to vector<16xi32>
      %add3A_168 = arith.addi %iota3A, %add3A_167 : vector<16xi32>
      %add3A_169 = arith.addi %mul3A_164, %add3A_168 : vector<16xi32>
      %jit3A_170 = arith.constant 1 : i32
      %jit3A_171 = arith.constant 0 : i32
      %broadcast_in_dim3A_172 = vector.broadcast %jit3A_170 : i32 to vector<16xi32>
      %broadcast_in_dim3A_173 = vector.broadcast %jit3A_171 : i32 to vector<16xi32>
      %select_n3A_174 = arith.select %and3A_161, %broadcast_in_dim3A_172, %broadcast_in_dim3A_173 : vector<16xi1>, vector<16xi32>
      %broadcast_in_dim3A_175 = arith.constant true
      %broadcast_in_dim3A_176 = vector.broadcast %broadcast_in_dim3A_175 : i1 to vector<16xi1>
      %masked_cumsum3A = tpu.scan <sum>, %select_n3A_174 masked %broadcast_in_dim3A_176 : vector<16xi32>, vector<16xi1> -> vector<16xi32>
      %add3A_177 = arith.addi %scan3A_117, %masked_cumsum3A : vector<16xi32>
      %sub3A_178 = arith.constant 1 : i32
      %sub3A_179 = vector.broadcast %sub3A_178 : i32 to vector<16xi32>
      %sub3A_180 = arith.subi %add3A_177, %sub3A_179 : vector<16xi32>
      tpu.vector_store_idx %arg6[%sub3A_180], %add3A_169 masked %and3A_161 : memref<19216xi32, #tpu.memory_space<vmem>>[vector<16xi32>], vector<16xi32>, vector<16xi1>
      %all_reduce_population_count3A = tpu.all_reduce %and3A_161 {dim = 0 : i64, kind = #tpu.reduction_kind<sum>} : vector<16xi1> -> vector<16xi32>
      %add3A_181 = arith.addi %scan3A_117, %all_reduce_population_count3A : vector<16xi32>
      scf.yield %add3A_181 : vector<16xi32>
    }
    %scan3A_86 = arith.constant 1200 : i32
    %slice3A = vector.extract_strided_slice %scan3A_85 {offsets = [0], sizes = [1], strides = [1]} : vector<16xi32> to vector<1xi32>
    %squeeze3A = vector.extract %slice3A[0] : i32 from vector<1xi32>
    %scan3A_87 = arith.constant 0 : i32
    %scan3A_88 = arith.constant 0 : i32
    %scan3A_89 = arith.constant 405 : i32
    %scan3A_90 = arith.addi %scan3A_88, %scan3A_89 : i32
    %scan3A_91 = arith.constant 1 : i32
    scf.for %scan3A_116 = %scan3A_88 to %scan3A_90 step %scan3A_91  : i32 {
      %mul3A_117 = arith.constant 80 : i32
      %mul3A_118 = arith.muli %scan3A_116, %mul3A_117 : i32
      %add3A_119 = arith.constant 0 : i32
      %add3A_120 = arith.addi %mul3A_118, %add3A_119 : i32
      %swap3A = arith.index_cast %add3A_120 : i32 to index
      %swap3A_121 = tpu.vector_load %arg8[%swap3A] {strides = array<i32>} : memref<32400xf32, #tpu.memory_space<vmem>>, vector<16xf32>,
      tpu.vector_store %arg8[%swap3A], %broadcast_in_dim3A_75 {strides = array<i32>} : memref<32400xf32, #tpu.memory_space<vmem>>, vector<16xf32>,
      %add3A_122 = arith.constant 0 : i32
      %add3A_123 = arith.addi %mul3A_118, %add3A_122 : i32
      %swap3A_124 = arith.index_cast %add3A_123 : i32 to index
      %swap3A_125 = tpu.vector_load %arg9[%swap3A_124] {strides = array<i32>} : memref<32400xf32, #tpu.memory_space<vmem>>, vector<16xf32>,
      tpu.vector_store %arg9[%swap3A_124], %broadcast_in_dim3A_75 {strides = array<i32>} : memref<32400xf32, #tpu.memory_space<vmem>>, vector<16xf32>,
      %add3A_126 = arith.constant 16 : i32
      %add3A_127 = arith.addi %mul3A_118, %add3A_126 : i32
      %swap3A_128 = arith.index_cast %add3A_127 : i32 to index
      %swap3A_129 = tpu.vector_load %arg8[%swap3A_128] {strides = array<i32>} : memref<32400xf32, #tpu.memory_space<vmem>>, vector<16xf32>,
      tpu.vector_store %arg8[%swap3A_128], %broadcast_in_dim3A_75 {strides = array<i32>} : memref<32400xf32, #tpu.memory_space<vmem>>, vector<16xf32>,
      %add3A_130 = arith.constant 16 : i32
      %add3A_131 = arith.addi %mul3A_118, %add3A_130 : i32
      %swap3A_132 = arith.index_cast %add3A_131 : i32 to index
      %swap3A_133 = tpu.vector_load %arg9[%swap3A_132] {strides = array<i32>} : memref<32400xf32, #tpu.memory_space<vmem>>, vector<16xf32>,
      tpu.vector_store %arg9[%swap3A_132], %broadcast_in_dim3A_75 {strides = array<i32>} : memref<32400xf32, #tpu.memory_space<vmem>>, vector<16xf32>,
      %add3A_134 = arith.constant 32 : i32
      %add3A_135 = arith.addi %mul3A_118, %add3A_134 : i32
      %swap3A_136 = arith.index_cast %add3A_135 : i32 to index
      %swap3A_137 = tpu.vector_load %arg8[%swap3A_136] {strides = array<i32>} : memref<32400xf32, #tpu.memory_space<vmem>>, vector<16xf32>,
      tpu.vector_store %arg8[%swap3A_136], %broadcast_in_dim3A_75 {strides = array<i32>} : memref<32400xf32, #tpu.memory_space<vmem>>, vector<16xf32>,
      %add3A_138 = arith.constant 32 : i32
      %add3A_139 = arith.addi %mul3A_118, %add3A_138 : i32
      %swap3A_140 = arith.index_cast %add3A_139 : i32 to index
      %swap3A_141 = tpu.vector_load %arg9[%swap3A_140] {strides = array<i32>} : memref<32400xf32, #tpu.memory_space<vmem>>, vector<16xf32>,
      tpu.vector_store %arg9[%swap3A_140], %broadcast_in_dim3A_75 {strides = array<i32>} : memref<32400xf32, #tpu.memory_space<vmem>>, vector<16xf32>,
      %add3A_142 = arith.constant 48 : i32
      %add3A_143 = arith.addi %mul3A_118, %add3A_142 : i32
      %swap3A_144 = arith.index_cast %add3A_143 : i32 to index
      %swap3A_145 = tpu.vector_load %arg8[%swap3A_144] {strides = array<i32>} : memref<32400xf32, #tpu.memory_space<vmem>>, vector<16xf32>,
      tpu.vector_store %arg8[%swap3A_144], %broadcast_in_dim3A_75 {strides = array<i32>} : memref<32400xf32, #tpu.memory_space<vmem>>, vector<16xf32>,
      %add3A_146 = arith.constant 48 : i32
      %add3A_147 = arith.addi %mul3A_118, %add3A_146 : i32
      %swap3A_148 = arith.index_cast %add3A_147 : i32 to index
      %swap3A_149 = tpu.vector_load %arg9[%swap3A_148] {strides = array<i32>} : memref<32400xf32, #tpu.memory_space<vmem>>, vector<16xf32>,
      tpu.vector_store %arg9[%swap3A_148], %broadcast_in_dim3A_75 {strides = array<i32>} : memref<32400xf32, #tpu.memory_space<vmem>>, vector<16xf32>,
      %add3A_150 = arith.constant 64 : i32
      %add3A_151 = arith.addi %mul3A_118, %add3A_150 : i32
      %swap3A_152 = arith.index_cast %add3A_151 : i32 to index
      %swap3A_153 = tpu.vector_load %arg8[%swap3A_152] {strides = array<i32>} : memref<32400xf32, #tpu.memory_space<vmem>>, vector<16xf32>,
      tpu.vector_store %arg8[%swap3A_152], %broadcast_in_dim3A_75 {strides = array<i32>} : memref<32400xf32, #tpu.memory_space<vmem>>, vector<16xf32>,
      %add3A_154 = arith.constant 64 : i32
      %add3A_155 = arith.addi %mul3A_118, %add3A_154 : i32
      %swap3A_156 = arith.index_cast %add3A_155 : i32 to index
      %swap3A_157 = tpu.vector_load %arg9[%swap3A_156] {strides = array<i32>} : memref<32400xf32, #tpu.memory_space<vmem>>, vector<16xf32>,
      tpu.vector_store %arg9[%swap3A_156], %broadcast_in_dim3A_75 {strides = array<i32>} : memref<32400xf32, #tpu.memory_space<vmem>>, vector<16xf32>,
    }
    %scan3A_92 = arith.constant 405 : i32
    %scan3A_93 = arith.constant 0 : i32
    %scan3A_94 = arith.constant 0 : i32
    %scan3A_95 = arith.constant 16 : i32
    %scan3A_96 = arith.addi %scan3A_94, %scan3A_95 : i32
    %scan3A_97 = arith.constant 1 : i32
    scf.for %scan3A_116 = %scan3A_94 to %scan3A_96 step %scan3A_97  : i32 {
      %mul3A_117 = arith.constant 2 : i32
      %mul3A_118 = arith.muli %mul3A_117, %scan3A_116 : i32
      %add3A_119 = arith.addi %mul3A_72, %mul3A_118 : i32
      %add3A_120 = arith.constant 1 : i32
      %add3A_121 = arith.addi %add3A_119, %add3A_120 : i32
      %gt3A = arith.constant 0 : i32
      %gt3A_122 = arith.cmpi sgt, %scan3A_116, %gt3A : i32
      %convert_element_type3A = arith.extui %gt3A_122 : i1 to i32
      %cond3A = arith.constant 0 : i32
      %cond3A_123 = arith.cmpi ne, %convert_element_type3A, %cond3A : i32
      scf.if %cond3A_123 {
        %mul3A_183 = arith.constant 64 : i32
        %mul3A_184 = arith.muli %select_n3A, %mul3A_183 : i32
        %add3A_185 = arith.addi %mul3A_184, %add3A_119 : i32
        %mul3A_186 = arith.constant 129600 : i32
        %mul3A_187 = arith.muli %add3A_185, %mul3A_186 : i32
        %add3A_188 = arith.addi %mul3A_187, %mul3A_74 : i32
        %multiple_of3A_189 = tpu.assume_multiple %add3A_188, 16 : i32
        %dma_wait3A_190 = tpu.memref_slice %arg4[%multiple_of3A_189] : memref<33177600xf32, #tpu.memory_space<hbm>> -> memref<32400xf32, #tpu.memory_space<hbm>>
        %dma_wait3A_191 = tpu.memref_slice %arg4[%multiple_of3A_189] : memref<33177600xf32, #tpu.memory_space<hbm>> -> memref<32400xf32, #tpu.memory_space<hbm>>
        tpu.wait_dma2 semaphore(%arg10 : memref<!tpu.dma_semaphore, #tpu.memory_space<semaphore_mem>>) src(%arg8 : memref<32400xf32, #tpu.memory_space<vmem>>) dst(%dma_wait3A_191 : memref<32400xf32, #tpu.memory_space<hbm>>)
      } else {
      }
      %eq3A_124 = arith.constant 0 : i32
      %eq3A_125 = arith.cmpi eq, %scan3A_116, %eq3A_124 : i32
      %mul3A_126 = arith.constant 64 : i32
      %mul3A_127 = arith.muli %select_n3A, %mul3A_126 : i32
      %add3A_128 = arith.addi %mul3A_127, %add3A_119 : i32
      %mul3A_129 = arith.constant 19200 : i32
      %mul3A_130 = arith.muli %add3A_128, %mul3A_129 : i32
      %multiple_of3A_131 = tpu.assume_multiple %mul3A_130, 16 : i32
      "tpu.region"() ({
        %run_scoped3A = tpu.sem_alloc : memref<!tpu.dma_semaphore, #tpu.memory_space<semaphore_mem>>
        %dma_start3A_183 = tpu.memref_slice %arg2[%multiple_of3A_131] : memref<4915200xf32, #tpu.memory_space<hbm>> -> memref<19200xf32, #tpu.memory_space<hbm>>
        %dma_start3A_184 = tpu.memref_slice %arg2[%multiple_of3A_131] : memref<4915200xf32, #tpu.memory_space<hbm>> -> memref<19200xf32, #tpu.memory_space<hbm>>
        tpu.enqueue_dma source(%dma_start3A_184 : memref<19200xf32, #tpu.memory_space<hbm>>) target(%arg7 : memref<19200xf32, #tpu.memory_space<vmem>>) target_semaphore(%run_scoped3A : memref<!tpu.dma_semaphore, #tpu.memory_space<semaphore_mem>>)
        %dma_wait3A_185 = tpu.memref_slice %arg2[%multiple_of3A_131] : memref<4915200xf32, #tpu.memory_space<hbm>> -> memref<19200xf32, #tpu.memory_space<hbm>>
        %dma_wait3A_186 = tpu.memref_slice %arg2[%multiple_of3A_131] : memref<4915200xf32, #tpu.memory_space<hbm>> -> memref<19200xf32, #tpu.memory_space<hbm>>
        tpu.wait_dma2 semaphore(%run_scoped3A : memref<!tpu.dma_semaphore, #tpu.memory_space<semaphore_mem>>) src(%dma_wait3A_186 : memref<19200xf32, #tpu.memory_space<hbm>>) dst(%arg7 : memref<19200xf32, #tpu.memory_space<vmem>>)
        tpu.yield
      }) : () -> ()
      %not3A = arith.constant true
      %not3A_132 = arith.xori %eq3A_125, %not3A : i1
      %convert_element_type3A_133 = arith.extui %not3A_132 : i1 to i32
      %cond3A_134 = arith.constant 0 : i32
      %cond3A_135 = arith.cmpi ne, %convert_element_type3A_133, %cond3A_134 : i32
      scf.if %cond3A_135 {
        %scan3A_183 = arith.constant 0 : i32
        %scan3A_184 = arith.constant 0 : i32
        %scan3A_185 = arith.constant 20 : i32
        %scan3A_186 = arith.addi %scan3A_184, %scan3A_185 : i32
        %scan3A_187 = arith.constant 1 : i32
        scf.for %scan3A_189 = %scan3A_184 to %scan3A_186 step %scan3A_187  : i32 {
          %mul3A_190 = arith.constant 960 : i32
          %mul3A_191 = arith.muli %scan3A_189, %mul3A_190 : i32
          %lt3A_192 = arith.cmpi slt, %mul3A_191, %squeeze3A : i32
          %convert_element_type3A_193 = arith.extui %lt3A_192 : i1 to i32
          %cond3A_194 = arith.constant 0 : i32
          %cond3A_195 = arith.cmpi ne, %convert_element_type3A_193, %cond3A_194 : i32
          scf.if %cond3A_195 {
            %mul3A_196 = arith.constant 60 : i32
            %mul3A_197 = arith.muli %scan3A_189, %mul3A_196 : i32
            %add3A_198 = arith.constant 1 : i32
            %add3A_199 = arith.addi %scan3A_189, %add3A_198 : i32
            %mul3A_200 = arith.constant 60 : i32
            %mul3A_201 = arith.muli %add3A_199, %mul3A_200 : i32
            %while3A = arith.constant 0 : i32
            %while3A_202 = arith.subi %mul3A_201, %mul3A_197 : i32
            %while3A_203 = arith.addi %mul3A_197, %while3A_202 : i32
            %while3A_204 = arith.constant 1 : i32
            %while3A_205 = arith.divsi %while3A_202, %while3A_204 : i32
            %while3A_206 = arith.muli %while3A_205, %while3A_204 : i32
            %while3A_207 = arith.addi %mul3A_197, %while3A_206 : i32
            %while3A_208 = arith.constant 1 : i32
            scf.for %while3A_210 = %mul3A_197 to %while3A_207 step %while3A_208  : i32 {
              %mul3A_211 = arith.constant 16 : i32
              %mul3A_212 = arith.muli %while3A_210, %mul3A_211 : i32
              %get3A = arith.index_cast %mul3A_212 : i32 to index
              %get3A_213 = tpu.vector_load %arg6[%get3A] {strides = array<i32>} : memref<19216xi32, #tpu.memory_space<vmem>>, vector<16xi32>,
              %mul3A_214 = arith.constant 16 : i32
              %mul3A_215 = arith.muli %while3A_210, %mul3A_214 : i32
              %add3A_216 = vector.broadcast %mul3A_215 : i32 to vector<16xi32>
              %add3A_217 = arith.addi %iota3A, %add3A_216 : vector<16xi32>
              %lt3A_218 = arith.cmpi slt, %add3A_217, %scan3A_85 : vector<16xi32>
              %shift_right_arithmetic3A = arith.constant 15 : i32
              %shift_right_arithmetic3A_219 = vector.broadcast %shift_right_arithmetic3A : i32 to vector<16xi32>
              %shift_right_arithmetic3A_220 = arith.shrsi %get3A_213, %shift_right_arithmetic3A_219 : vector<16xi32>
              tpu.vector_store_idx %arg8[%shift_right_arithmetic3A_220], %broadcast_in_dim3A_75 masked %lt3A_218 : memref<32400xf32, #tpu.memory_space<vmem>>[vector<16xi32>], vector<16xf32>, vector<16xi1>
            }
            %while3A_209 = arith.constant 1 : i32
            scf.for %while3A_210 = %while3A_207 to %while3A_203 step %while3A_209  : i32 {
              %mul3A_211 = arith.constant 16 : i32
              %mul3A_212 = arith.muli %while3A_210, %mul3A_211 : i32
              %get3A = arith.index_cast %mul3A_212 : i32 to index
              %get3A_213 = tpu.vector_load %arg6[%get3A] {strides = array<i32>} : memref<19216xi32, #tpu.memory_space<vmem>>, vector<16xi32>,
              %mul3A_214 = arith.constant 16 : i32
              %mul3A_215 = arith.muli %while3A_210, %mul3A_214 : i32
              %add3A_216 = vector.broadcast %mul3A_215 : i32 to vector<16xi32>
              %add3A_217 = arith.addi %iota3A, %add3A_216 : vector<16xi32>
              %lt3A_218 = arith.cmpi slt, %add3A_217, %scan3A_85 : vector<16xi32>
              %shift_right_arithmetic3A = arith.constant 15 : i32
              %shift_right_arithmetic3A_219 = vector.broadcast %shift_right_arithmetic3A : i32 to vector<16xi32>
              %shift_right_arithmetic3A_220 = arith.shrsi %get3A_213, %shift_right_arithmetic3A_219 : vector<16xi32>
              tpu.vector_store_idx %arg8[%shift_right_arithmetic3A_220], %broadcast_in_dim3A_75 masked %lt3A_218 : memref<32400xf32, #tpu.memory_space<vmem>>[vector<16xi32>], vector<16xf32>, vector<16xi1>
            }
          } else {
          }
        }
        %scan3A_188 = arith.constant 20 : i32
      } else {
      }
      %scan3A_136 = arith.constant 0 : i32
      %scan3A_137 = arith.constant 0 : i32
      %scan3A_138 = arith.constant 20 : i32
      %scan3A_139 = arith.addi %scan3A_137, %scan3A_138 : i32
      %scan3A_140 = arith.constant 1 : i32
      scf.for %scan3A_183 = %scan3A_137 to %scan3A_139 step %scan3A_140  : i32 {
        %mul3A_184 = arith.constant 960 : i32
        %mul3A_185 = arith.muli %scan3A_183, %mul3A_184 : i32
        %lt3A_186 = arith.cmpi slt, %mul3A_185, %squeeze3A : i32
        %convert_element_type3A_187 = arith.extui %lt3A_186 : i1 to i32
        %cond3A_188 = arith.constant 0 : i32
        %cond3A_189 = arith.cmpi ne, %convert_element_type3A_187, %cond3A_188 : i32
        scf.if %cond3A_189 {
          %mul3A_190 = arith.constant 60 : i32
          %mul3A_191 = arith.muli %scan3A_183, %mul3A_190 : i32
          %add3A_192 = arith.constant 1 : i32
          %add3A_193 = arith.addi %scan3A_183, %add3A_192 : i32
          %mul3A_194 = arith.constant 60 : i32
          %mul3A_195 = arith.muli %add3A_193, %mul3A_194 : i32
          %while3A = arith.subi %mul3A_195, %mul3A_191 : i32
          %while3A_196 = arith.addi %mul3A_191, %while3A : i32
          %while3A_197 = arith.constant 1 : i32
          %while3A_198 = arith.divsi %while3A, %while3A_197 : i32
          %while3A_199 = arith.muli %while3A_198, %while3A_197 : i32
          %while3A_200 = arith.addi %mul3A_191, %while3A_199 : i32
          %while3A_201 = arith.constant 1 : i32
          %while3A_202 = scf.for %while3A_218 = %mul3A_191 to %while3A_200 step %while3A_201 iter_args(%while3A_219 = %broadcast_in_dim3A_77) -> (vector<16xi1>)  : i32 {
            %mul3A_220 = arith.constant 16 : i32
            %mul3A_221 = arith.muli %while3A_218, %mul3A_220 : i32
            %get3A = arith.index_cast %mul3A_221 : i32 to index
            %get3A_222 = tpu.vector_load %arg6[%get3A] {strides = array<i32>} : memref<19216xi32, #tpu.memory_space<vmem>>, vector<16xi32>,
            %shift_right_arithmetic3A = arith.constant 15 : i32
            %shift_right_arithmetic3A_223 = vector.broadcast %shift_right_arithmetic3A : i32 to vector<16xi32>
            %shift_right_arithmetic3A_224 = arith.shrsi %get3A_222, %shift_right_arithmetic3A_223 : vector<16xi32>
            %and3A_225 = arith.constant 32767 : i32
            %and3A_226 = vector.broadcast %and3A_225 : i32 to vector<16xi32>
            %and3A_227 = arith.andi %get3A_222, %and3A_226 : vector<16xi32>
            %mul3A_228 = arith.constant 16 : i32
            %mul3A_229 = arith.muli %while3A_218, %mul3A_228 : i32
            %add3A_230 = vector.broadcast %mul3A_229 : i32 to vector<16xi32>
            %add3A_231 = arith.addi %iota3A, %add3A_230 : vector<16xi32>
            %lt3A_232 = arith.cmpi slt, %add3A_231, %scan3A_85 : vector<16xi32>
            %gather3A = tpu.vector_load_idx %arg7[%and3A_227] masked %lt3A_232 : memref<19200xf32, #tpu.memory_space<vmem>>[vector<16xi32>], vector<16xf32>, vector<16xi1>
            %gather3A_233 = tpu.vector_load_idx %arg8[%shift_right_arithmetic3A_224] masked %lt3A_232 : memref<32400xf32, #tpu.memory_space<vmem>>[vector<16xi32>], vector<16xf32>, vector<16xi1>
            %max3A = arith.maximumf %gather3A_233, %gather3A : vector<16xf32>
            tpu.vector_store_idx %arg8[%shift_right_arithmetic3A_224], %max3A masked %lt3A_232 : memref<32400xf32, #tpu.memory_space<vmem>>[vector<16xi32>], vector<16xf32>, vector<16xi1>
            %gather3A_234 = tpu.vector_load_idx %arg8[%shift_right_arithmetic3A_224] masked %lt3A_232 : memref<32400xf32, #tpu.memory_space<vmem>>[vector<16xi32>], vector<16xf32>, vector<16xi1>
            %lt3A_235 = arith.cmpf olt, %gather3A_234, %gather3A : vector<16xf32>
            %and3A_236 = arith.andi %lt3A_232, %lt3A_235 : vector<16xi1>
            %or3A = arith.ori %while3A_219, %and3A_236 : vector<16xi1>
            scf.yield %or3A : vector<16xi1>
          }
          %while3A_203 = arith.constant 1 : i32
          %while3A_204 = scf.for %while3A_218 = %while3A_200 to %while3A_196 step %while3A_203 iter_args(%while3A_219 = %while3A_202) -> (vector<16xi1>)  : i32 {
            %mul3A_220 = arith.constant 16 : i32
            %mul3A_221 = arith.muli %while3A_218, %mul3A_220 : i32
            %get3A = arith.index_cast %mul3A_221 : i32 to index
            %get3A_222 = tpu.vector_load %arg6[%get3A] {strides = array<i32>} : memref<19216xi32, #tpu.memory_space<vmem>>, vector<16xi32>,
            %shift_right_arithmetic3A = arith.constant 15 : i32
            %shift_right_arithmetic3A_223 = vector.broadcast %shift_right_arithmetic3A : i32 to vector<16xi32>
            %shift_right_arithmetic3A_224 = arith.shrsi %get3A_222, %shift_right_arithmetic3A_223 : vector<16xi32>
            %and3A_225 = arith.constant 32767 : i32
            %and3A_226 = vector.broadcast %and3A_225 : i32 to vector<16xi32>
            %and3A_227 = arith.andi %get3A_222, %and3A_226 : vector<16xi32>
            %mul3A_228 = arith.constant 16 : i32
            %mul3A_229 = arith.muli %while3A_218, %mul3A_228 : i32
            %add3A_230 = vector.broadcast %mul3A_229 : i32 to vector<16xi32>
            %add3A_231 = arith.addi %iota3A, %add3A_230 : vector<16xi32>
            %lt3A_232 = arith.cmpi slt, %add3A_231, %scan3A_85 : vector<16xi32>
            %gather3A = tpu.vector_load_idx %arg7[%and3A_227] masked %lt3A_232 : memref<19200xf32, #tpu.memory_space<vmem>>[vector<16xi32>], vector<16xf32>, vector<16xi1>
            %gather3A_233 = tpu.vector_load_idx %arg8[%shift_right_arithmetic3A_224] masked %lt3A_232 : memref<32400xf32, #tpu.memory_space<vmem>>[vector<16xi32>], vector<16xf32>, vector<16xi1>
            %max3A = arith.maximumf %gather3A_233, %gather3A : vector<16xf32>
            tpu.vector_store_idx %arg8[%shift_right_arithmetic3A_224], %max3A masked %lt3A_232 : memref<32400xf32, #tpu.memory_space<vmem>>[vector<16xi32>], vector<16xf32>, vector<16xi1>
            %gather3A_234 = tpu.vector_load_idx %arg8[%shift_right_arithmetic3A_224] masked %lt3A_232 : memref<32400xf32, #tpu.memory_space<vmem>>[vector<16xi32>], vector<16xf32>, vector<16xi1>
            %lt3A_235 = arith.cmpf olt, %gather3A_234, %gather3A : vector<16xf32>
            %and3A_236 = arith.andi %lt3A_232, %lt3A_235 : vector<16xi1>
            %or3A = arith.ori %while3A_219, %and3A_236 : vector<16xi1>
            scf.yield %or3A : vector<16xi1>
          }
          %reduce_or3A = arith.constant 1.000000e+00 : f32
          %reduce_or3A_205 = arith.constant 0.000000e+00 : f32
          %reduce_or3A_206 = vector.broadcast %reduce_or3A : f32 to vector<16xf32>
          %reduce_or3A_207 = vector.broadcast %reduce_or3A_205 : f32 to vector<16xf32>
          %reduce_or3A_208 = arith.select %while3A_204, %reduce_or3A_206, %reduce_or3A_207 : vector<16xi1>, vector<16xf32>
          %reduce_or3A_209 = arith.constant true
          %reduce_or3A_210 = vector.broadcast %reduce_or3A_209 : i1 to vector<16xi1>
          %reduce_or3A_211 = tpu.scan <max>, %reduce_or3A_208 masked %reduce_or3A_210 : vector<16xf32>, vector<16xi1> -> vector<16xf32>
          %reduce_or3A_212 = vector.extract %reduce_or3A_211[15] : f32 from vector<16xf32>
          %reduce_or3A_213 = arith.constant 0.000000e+00 : f32
          %reduce_or3A_214 = arith.cmpf ogt, %reduce_or3A_212, %reduce_or3A_213 : f32
          %convert_element_type3A_215 = arith.extui %reduce_or3A_214 : i1 to i32
          %cond3A_216 = arith.constant 0 : i32
          %cond3A_217 = arith.cmpi ne, %convert_element_type3A_215, %cond3A_216 : i32
          scf.if %cond3A_217 {
            %mul3A_218 = arith.constant 60 : i32
            %mul3A_219 = arith.muli %scan3A_183, %mul3A_218 : i32
            %add3A_220 = arith.constant 1 : i32
            %add3A_221 = arith.addi %scan3A_183, %add3A_220 : i32
            %mul3A_222 = arith.constant 60 : i32
            %mul3A_223 = arith.muli %add3A_221, %mul3A_222 : i32
            %while3A_224 = arith.constant 0 : i32
            %while3A_225 = arith.subi %mul3A_223, %mul3A_219 : i32
            %while3A_226 = arith.addi %mul3A_219, %while3A_225 : i32
            %while3A_227 = arith.constant 1 : i32
            %while3A_228 = arith.divsi %while3A_225, %while3A_227 : i32
            %while3A_229 = arith.muli %while3A_228, %while3A_227 : i32
            %while3A_230 = arith.addi %mul3A_219, %while3A_229 : i32
            %while3A_231 = arith.constant 1 : i32
            scf.for %while3A_233 = %mul3A_219 to %while3A_230 step %while3A_231  : i32 {
              %mul3A_234 = arith.constant 16 : i32
              %mul3A_235 = arith.muli %while3A_233, %mul3A_234 : i32
              %get3A = arith.index_cast %mul3A_235 : i32 to index
              %get3A_236 = tpu.vector_load %arg6[%get3A] {strides = array<i32>} : memref<19216xi32, #tpu.memory_space<vmem>>, vector<16xi32>,
              %shift_right_arithmetic3A = arith.constant 15 : i32
              %shift_right_arithmetic3A_237 = vector.broadcast %shift_right_arithmetic3A : i32 to vector<16xi32>
              %shift_right_arithmetic3A_238 = arith.shrsi %get3A_236, %shift_right_arithmetic3A_237 : vector<16xi32>
              %and3A_239 = arith.constant 32767 : i32
              %and3A_240 = vector.broadcast %and3A_239 : i32 to vector<16xi32>
              %and3A_241 = arith.andi %get3A_236, %and3A_240 : vector<16xi32>
              %mul3A_242 = arith.constant 16 : i32
              %mul3A_243 = arith.muli %while3A_233, %mul3A_242 : i32
              %add3A_244 = vector.broadcast %mul3A_243 : i32 to vector<16xi32>
              %add3A_245 = arith.addi %iota3A, %add3A_244 : vector<16xi32>
              %lt3A_246 = arith.cmpi slt, %add3A_245, %scan3A_85 : vector<16xi32>
              %gather3A = tpu.vector_load_idx %arg7[%and3A_241] masked %lt3A_246 : memref<19200xf32, #tpu.memory_space<vmem>>[vector<16xi32>], vector<16xf32>, vector<16xi1>
              %gather3A_247 = tpu.vector_load_idx %arg8[%shift_right_arithmetic3A_238] masked %lt3A_246 : memref<32400xf32, #tpu.memory_space<vmem>>[vector<16xi32>], vector<16xf32>, vector<16xi1>
              %lt3A_248 = arith.cmpf olt, %gather3A_247, %gather3A : vector<16xf32>
              %and3A_249 = arith.andi %lt3A_246, %lt3A_248 : vector<16xi1>
              %reduce_or3A_250 = arith.constant 1.000000e+00 : f32
              %reduce_or3A_251 = arith.constant 0.000000e+00 : f32
              %reduce_or3A_252 = vector.broadcast %reduce_or3A_250 : f32 to vector<16xf32>
              %reduce_or3A_253 = vector.broadcast %reduce_or3A_251 : f32 to vector<16xf32>
              %reduce_or3A_254 = arith.select %and3A_249, %reduce_or3A_252, %reduce_or3A_253 : vector<16xi1>, vector<16xf32>
              %reduce_or3A_255 = arith.constant true
              %reduce_or3A_256 = vector.broadcast %reduce_or3A_255 : i1 to vector<16xi1>
              %reduce_or3A_257 = tpu.scan <max>, %reduce_or3A_254 masked %reduce_or3A_256 : vector<16xf32>, vector<16xi1> -> vector<16xf32>
              %reduce_or3A_258 = vector.extract %reduce_or3A_257[15] : f32 from vector<16xf32>
              %reduce_or3A_259 = arith.constant 0.000000e+00 : f32
              %reduce_or3A_260 = arith.cmpf ogt, %reduce_or3A_258, %reduce_or3A_259 : f32
              %convert_element_type3A_261 = arith.extui %reduce_or3A_260 : i1 to i32
              %cond3A_262 = arith.constant 0 : i32
              %cond3A_263 = arith.cmpi ne, %convert_element_type3A_261, %cond3A_262 : i32
              scf.if %cond3A_263 {
                %scan3A_264 = arith.constant 0 : i32
                %scan3A_265 = arith.constant 16 : i32
                %scan3A_266 = arith.addi %scan3A_264, %scan3A_265 : i32
                %scan3A_267 = arith.constant 1 : i32
                %scan3A_268 = scf.for %scan3A_270 = %scan3A_264 to %scan3A_266 step %scan3A_267 iter_args(%scan3A_271 = %and3A_249) -> (vector<16xi1>)  : i32 {
                  %gather3A_272 = tpu.vector_load_idx %arg8[%shift_right_arithmetic3A_238] masked %scan3A_271 : memref<32400xf32, #tpu.memory_space<vmem>>[vector<16xi32>], vector<16xf32>, vector<16xi1>
                  %max3A = arith.maximumf %gather3A_272, %gather3A : vector<16xf32>
                  tpu.vector_store_idx %arg8[%shift_right_arithmetic3A_238], %max3A masked %scan3A_271 : memref<32400xf32, #tpu.memory_space<vmem>>[vector<16xi32>], vector<16xf32>, vector<16xi1>
                  %gather3A_273 = tpu.vector_load_idx %arg8[%shift_right_arithmetic3A_238] masked %scan3A_271 : memref<32400xf32, #tpu.memory_space<vmem>>[vector<16xi32>], vector<16xf32>, vector<16xi1>
                  %lt3A_274 = arith.cmpf olt, %gather3A_273, %gather3A : vector<16xf32>
                  %and3A_275 = arith.andi %scan3A_271, %lt3A_274 : vector<16xi1>
                  scf.yield %and3A_275 : vector<16xi1>
                }
                %scan3A_269 = arith.constant 16 : i32
              } else {
              }
            }
            %while3A_232 = arith.constant 1 : i32
            scf.for %while3A_233 = %while3A_230 to %while3A_226 step %while3A_232  : i32 {
              %mul3A_234 = arith.constant 16 : i32
              %mul3A_235 = arith.muli %while3A_233, %mul3A_234 : i32
              %get3A = arith.index_cast %mul3A_235 : i32 to index
              %get3A_236 = tpu.vector_load %arg6[%get3A] {strides = array<i32>} : memref<19216xi32, #tpu.memory_space<vmem>>, vector<16xi32>,
              %shift_right_arithmetic3A = arith.constant 15 : i32
              %shift_right_arithmetic3A_237 = vector.broadcast %shift_right_arithmetic3A : i32 to vector<16xi32>
              %shift_right_arithmetic3A_238 = arith.shrsi %get3A_236, %shift_right_arithmetic3A_237 : vector<16xi32>
              %and3A_239 = arith.constant 32767 : i32
              %and3A_240 = vector.broadcast %and3A_239 : i32 to vector<16xi32>
              %and3A_241 = arith.andi %get3A_236, %and3A_240 : vector<16xi32>
              %mul3A_242 = arith.constant 16 : i32
              %mul3A_243 = arith.muli %while3A_233, %mul3A_242 : i32
              %add3A_244 = vector.broadcast %mul3A_243 : i32 to vector<16xi32>
              %add3A_245 = arith.addi %iota3A, %add3A_244 : vector<16xi32>
              %lt3A_246 = arith.cmpi slt, %add3A_245, %scan3A_85 : vector<16xi32>
              %gather3A = tpu.vector_load_idx %arg7[%and3A_241] masked %lt3A_246 : memref<19200xf32, #tpu.memory_space<vmem>>[vector<16xi32>], vector<16xf32>, vector<16xi1>
              %gather3A_247 = tpu.vector_load_idx %arg8[%shift_right_arithmetic3A_238] masked %lt3A_246 : memref<32400xf32, #tpu.memory_space<vmem>>[vector<16xi32>], vector<16xf32>, vector<16xi1>
              %lt3A_248 = arith.cmpf olt, %gather3A_247, %gather3A : vector<16xf32>
              %and3A_249 = arith.andi %lt3A_246, %lt3A_248 : vector<16xi1>
              %reduce_or3A_250 = arith.constant 1.000000e+00 : f32
              %reduce_or3A_251 = arith.constant 0.000000e+00 : f32
              %reduce_or3A_252 = vector.broadcast %reduce_or3A_250 : f32 to vector<16xf32>
              %reduce_or3A_253 = vector.broadcast %reduce_or3A_251 : f32 to vector<16xf32>
              %reduce_or3A_254 = arith.select %and3A_249, %reduce_or3A_252, %reduce_or3A_253 : vector<16xi1>, vector<16xf32>
              %reduce_or3A_255 = arith.constant true
              %reduce_or3A_256 = vector.broadcast %reduce_or3A_255 : i1 to vector<16xi1>
              %reduce_or3A_257 = tpu.scan <max>, %reduce_or3A_254 masked %reduce_or3A_256 : vector<16xf32>, vector<16xi1> -> vector<16xf32>
              %reduce_or3A_258 = vector.extract %reduce_or3A_257[15] : f32 from vector<16xf32>
              %reduce_or3A_259 = arith.constant 0.000000e+00 : f32
              %reduce_or3A_260 = arith.cmpf ogt, %reduce_or3A_258, %reduce_or3A_259 : f32
              %convert_element_type3A_261 = arith.extui %reduce_or3A_260 : i1 to i32
              %cond3A_262 = arith.constant 0 : i32
              %cond3A_263 = arith.cmpi ne, %convert_element_type3A_261, %cond3A_262 : i32
              scf.if %cond3A_263 {
                %scan3A_264 = arith.constant 0 : i32
                %scan3A_265 = arith.constant 16 : i32
                %scan3A_266 = arith.addi %scan3A_264, %scan3A_265 : i32
                %scan3A_267 = arith.constant 1 : i32
                %scan3A_268 = scf.for %scan3A_270 = %scan3A_264 to %scan3A_266 step %scan3A_267 iter_args(%scan3A_271 = %and3A_249) -> (vector<16xi1>)  : i32 {
                  %gather3A_272 = tpu.vector_load_idx %arg8[%shift_right_arithmetic3A_238] masked %scan3A_271 : memref<32400xf32, #tpu.memory_space<vmem>>[vector<16xi32>], vector<16xf32>, vector<16xi1>
                  %max3A = arith.maximumf %gather3A_272, %gather3A : vector<16xf32>
                  tpu.vector_store_idx %arg8[%shift_right_arithmetic3A_238], %max3A masked %scan3A_271 : memref<32400xf32, #tpu.memory_space<vmem>>[vector<16xi32>], vector<16xf32>, vector<16xi1>
                  %gather3A_273 = tpu.vector_load_idx %arg8[%shift_right_arithmetic3A_238] masked %scan3A_271 : memref<32400xf32, #tpu.memory_space<vmem>>[vector<16xi32>], vector<16xf32>, vector<16xi1>
                  %lt3A_274 = arith.cmpf olt, %gather3A_273, %gather3A : vector<16xf32>
                  %and3A_275 = arith.andi %scan3A_271, %lt3A_274 : vector<16xi1>
                  scf.yield %and3A_275 : vector<16xi1>
                }
                %scan3A_269 = arith.constant 16 : i32
              } else {
              }
            }
          } else {
          }
        } else {
        }
      }
      %scan3A_141 = arith.constant 20 : i32
      %mul3A_142 = arith.constant 64 : i32
      %mul3A_143 = arith.muli %select_n3A, %mul3A_142 : i32
      %add3A_144 = arith.addi %mul3A_143, %add3A_119 : i32
      %mul3A_145 = arith.constant 129600 : i32
      %mul3A_146 = arith.muli %add3A_144, %mul3A_145 : i32
      %add3A_147 = arith.addi %mul3A_146, %mul3A_74 : i32
      %multiple_of3A_148 = tpu.assume_multiple %add3A_147, 16 : i32
      %dma_start3A = tpu.memref_slice %arg4[%multiple_of3A_148] : memref<33177600xf32, #tpu.memory_space<hbm>> -> memref<32400xf32, #tpu.memory_space<hbm>>
      %dma_start3A_149 = tpu.memref_slice %arg4[%multiple_of3A_148] : memref<33177600xf32, #tpu.memory_space<hbm>> -> memref<32400xf32, #tpu.memory_space<hbm>>
      tpu.enqueue_dma source(%arg8 : memref<32400xf32, #tpu.memory_space<vmem>>) target(%dma_start3A_149 : memref<32400xf32, #tpu.memory_space<hbm>>) target_semaphore(%arg10 : memref<!tpu.dma_semaphore, #tpu.memory_space<semaphore_mem>>)
      %gt3A_150 = arith.constant 0 : i32
      %gt3A_151 = arith.cmpi sgt, %scan3A_116, %gt3A_150 : i32
      %convert_element_type3A_152 = arith.extui %gt3A_151 : i1 to i32
      %cond3A_153 = arith.constant 0 : i32
      %cond3A_154 = arith.cmpi ne, %convert_element_type3A_152, %cond3A_153 : i32
      scf.if %cond3A_154 {
        %mul3A_183 = arith.constant 64 : i32
        %mul3A_184 = arith.muli %select_n3A, %mul3A_183 : i32
        %add3A_185 = arith.addi %mul3A_184, %add3A_121 : i32
        %mul3A_186 = arith.constant 129600 : i32
        %mul3A_187 = arith.muli %add3A_185, %mul3A_186 : i32
        %add3A_188 = arith.addi %mul3A_187, %mul3A_74 : i32
        %multiple_of3A_189 = tpu.assume_multiple %add3A_188, 16 : i32
        %dma_wait3A_190 = tpu.memref_slice %arg4[%multiple_of3A_189] : memref<33177600xf32, #tpu.memory_space<hbm>> -> memref<32400xf32, #tpu.memory_space<hbm>>
        %dma_wait3A_191 = tpu.memref_slice %arg4[%multiple_of3A_189] : memref<33177600xf32, #tpu.memory_space<hbm>> -> memref<32400xf32, #tpu.memory_space<hbm>>
        tpu.wait_dma2 semaphore(%arg11 : memref<!tpu.dma_semaphore, #tpu.memory_space<semaphore_mem>>) src(%arg9 : memref<32400xf32, #tpu.memory_space<vmem>>) dst(%dma_wait3A_191 : memref<32400xf32, #tpu.memory_space<hbm>>)
      } else {
      }
      %eq3A_155 = arith.constant 0 : i32
      %eq3A_156 = arith.cmpi eq, %scan3A_116, %eq3A_155 : i32
      %mul3A_157 = arith.constant 64 : i32
      %mul3A_158 = arith.muli %select_n3A, %mul3A_157 : i32
      %add3A_159 = arith.addi %mul3A_158, %add3A_121 : i32
      %mul3A_160 = arith.constant 19200 : i32
      %mul3A_161 = arith.muli %add3A_159, %mul3A_160 : i32
      %multiple_of3A_162 = tpu.assume_multiple %mul3A_161, 16 : i32
      "tpu.region"() ({
        %run_scoped3A = tpu.sem_alloc : memref<!tpu.dma_semaphore, #tpu.memory_space<semaphore_mem>>
        %dma_start3A_183 = tpu.memref_slice %arg2[%multiple_of3A_162] : memref<4915200xf32, #tpu.memory_space<hbm>> -> memref<19200xf32, #tpu.memory_space<hbm>>
        %dma_start3A_184 = tpu.memref_slice %arg2[%multiple_of3A_162] : memref<4915200xf32, #tpu.memory_space<hbm>> -> memref<19200xf32, #tpu.memory_space<hbm>>
        tpu.enqueue_dma source(%dma_start3A_184 : memref<19200xf32, #tpu.memory_space<hbm>>) target(%arg7 : memref<19200xf32, #tpu.memory_space<vmem>>) target_semaphore(%run_scoped3A : memref<!tpu.dma_semaphore, #tpu.memory_space<semaphore_mem>>)
        %dma_wait3A_185 = tpu.memref_slice %arg2[%multiple_of3A_162] : memref<4915200xf32, #tpu.memory_space<hbm>> -> memref<19200xf32, #tpu.memory_space<hbm>>
        %dma_wait3A_186 = tpu.memref_slice %arg2[%multiple_of3A_162] : memref<4915200xf32, #tpu.memory_space<hbm>> -> memref<19200xf32, #tpu.memory_space<hbm>>
        tpu.wait_dma2 semaphore(%run_scoped3A : memref<!tpu.dma_semaphore, #tpu.memory_space<semaphore_mem>>) src(%dma_wait3A_186 : memref<19200xf32, #tpu.memory_space<hbm>>) dst(%arg7 : memref<19200xf32, #tpu.memory_space<vmem>>)
        tpu.yield
      }) : () -> ()
      %not3A_163 = arith.constant true
      %not3A_164 = arith.xori %eq3A_156, %not3A_163 : i1
      %convert_element_type3A_165 = arith.extui %not3A_164 : i1 to i32
      %cond3A_166 = arith.constant 0 : i32
      %cond3A_167 = arith.cmpi ne, %convert_element_type3A_165, %cond3A_166 : i32
      scf.if %cond3A_167 {
        %scan3A_183 = arith.constant 0 : i32
        %scan3A_184 = arith.constant 0 : i32
        %scan3A_185 = arith.constant 20 : i32
        %scan3A_186 = arith.addi %scan3A_184, %scan3A_185 : i32
        %scan3A_187 = arith.constant 1 : i32
        scf.for %scan3A_189 = %scan3A_184 to %scan3A_186 step %scan3A_187  : i32 {
          %mul3A_190 = arith.constant 960 : i32
          %mul3A_191 = arith.muli %scan3A_189, %mul3A_190 : i32
          %lt3A_192 = arith.cmpi slt, %mul3A_191, %squeeze3A : i32
          %convert_element_type3A_193 = arith.extui %lt3A_192 : i1 to i32
          %cond3A_194 = arith.constant 0 : i32
          %cond3A_195 = arith.cmpi ne, %convert_element_type3A_193, %cond3A_194 : i32
          scf.if %cond3A_195 {
            %mul3A_196 = arith.constant 60 : i32
            %mul3A_197 = arith.muli %scan3A_189, %mul3A_196 : i32
            %add3A_198 = arith.constant 1 : i32
            %add3A_199 = arith.addi %scan3A_189, %add3A_198 : i32
            %mul3A_200 = arith.constant 60 : i32
            %mul3A_201 = arith.muli %add3A_199, %mul3A_200 : i32
            %while3A = arith.constant 0 : i32
            %while3A_202 = arith.subi %mul3A_201, %mul3A_197 : i32
            %while3A_203 = arith.addi %mul3A_197, %while3A_202 : i32
            %while3A_204 = arith.constant 1 : i32
            %while3A_205 = arith.divsi %while3A_202, %while3A_204 : i32
            %while3A_206 = arith.muli %while3A_205, %while3A_204 : i32
            %while3A_207 = arith.addi %mul3A_197, %while3A_206 : i32
            %while3A_208 = arith.constant 1 : i32
            scf.for %while3A_210 = %mul3A_197 to %while3A_207 step %while3A_208  : i32 {
              %mul3A_211 = arith.constant 16 : i32
              %mul3A_212 = arith.muli %while3A_210, %mul3A_211 : i32
              %get3A = arith.index_cast %mul3A_212 : i32 to index
              %get3A_213 = tpu.vector_load %arg6[%get3A] {strides = array<i32>} : memref<19216xi32, #tpu.memory_space<vmem>>, vector<16xi32>,
              %mul3A_214 = arith.constant 16 : i32
              %mul3A_215 = arith.muli %while3A_210, %mul3A_214 : i32
              %add3A_216 = vector.broadcast %mul3A_215 : i32 to vector<16xi32>
              %add3A_217 = arith.addi %iota3A, %add3A_216 : vector<16xi32>
              %lt3A_218 = arith.cmpi slt, %add3A_217, %scan3A_85 : vector<16xi32>
              %shift_right_arithmetic3A = arith.constant 15 : i32
              %shift_right_arithmetic3A_219 = vector.broadcast %shift_right_arithmetic3A : i32 to vector<16xi32>
              %shift_right_arithmetic3A_220 = arith.shrsi %get3A_213, %shift_right_arithmetic3A_219 : vector<16xi32>
              tpu.vector_store_idx %arg9[%shift_right_arithmetic3A_220], %broadcast_in_dim3A_75 masked %lt3A_218 : memref<32400xf32, #tpu.memory_space<vmem>>[vector<16xi32>], vector<16xf32>, vector<16xi1>
            }
            %while3A_209 = arith.constant 1 : i32
            scf.for %while3A_210 = %while3A_207 to %while3A_203 step %while3A_209  : i32 {
              %mul3A_211 = arith.constant 16 : i32
              %mul3A_212 = arith.muli %while3A_210, %mul3A_211 : i32
              %get3A = arith.index_cast %mul3A_212 : i32 to index
              %get3A_213 = tpu.vector_load %arg6[%get3A] {strides = array<i32>} : memref<19216xi32, #tpu.memory_space<vmem>>, vector<16xi32>,
              %mul3A_214 = arith.constant 16 : i32
              %mul3A_215 = arith.muli %while3A_210, %mul3A_214 : i32
              %add3A_216 = vector.broadcast %mul3A_215 : i32 to vector<16xi32>
              %add3A_217 = arith.addi %iota3A, %add3A_216 : vector<16xi32>
              %lt3A_218 = arith.cmpi slt, %add3A_217, %scan3A_85 : vector<16xi32>
              %shift_right_arithmetic3A = arith.constant 15 : i32
              %shift_right_arithmetic3A_219 = vector.broadcast %shift_right_arithmetic3A : i32 to vector<16xi32>
              %shift_right_arithmetic3A_220 = arith.shrsi %get3A_213, %shift_right_arithmetic3A_219 : vector<16xi32>
              tpu.vector_store_idx %arg9[%shift_right_arithmetic3A_220], %broadcast_in_dim3A_75 masked %lt3A_218 : memref<32400xf32, #tpu.memory_space<vmem>>[vector<16xi32>], vector<16xf32>, vector<16xi1>
            }
          } else {
          }
        }
        %scan3A_188 = arith.constant 20 : i32
      } else {
      }
      %scan3A_168 = arith.constant 0 : i32
      %scan3A_169 = arith.constant 0 : i32
      %scan3A_170 = arith.constant 20 : i32
      %scan3A_171 = arith.addi %scan3A_169, %scan3A_170 : i32
      %scan3A_172 = arith.constant 1 : i32
      scf.for %scan3A_183 = %scan3A_169 to %scan3A_171 step %scan3A_172  : i32 {
        %mul3A_184 = arith.constant 960 : i32
        %mul3A_185 = arith.muli %scan3A_183, %mul3A_184 : i32
        %lt3A_186 = arith.cmpi slt, %mul3A_185, %squeeze3A : i32
        %convert_element_type3A_187 = arith.extui %lt3A_186 : i1 to i32
        %cond3A_188 = arith.constant 0 : i32
        %cond3A_189 = arith.cmpi ne, %convert_element_type3A_187, %cond3A_188 : i32
        scf.if %cond3A_189 {
          %mul3A_190 = arith.constant 60 : i32
          %mul3A_191 = arith.muli %scan3A_183, %mul3A_190 : i32
          %add3A_192 = arith.constant 1 : i32
          %add3A_193 = arith.addi %scan3A_183, %add3A_192 : i32
          %mul3A_194 = arith.constant 60 : i32
          %mul3A_195 = arith.muli %add3A_193, %mul3A_194 : i32
          %while3A = arith.subi %mul3A_195, %mul3A_191 : i32
          %while3A_196 = arith.addi %mul3A_191, %while3A : i32
          %while3A_197 = arith.constant 1 : i32
          %while3A_198 = arith.divsi %while3A, %while3A_197 : i32
          %while3A_199 = arith.muli %while3A_198, %while3A_197 : i32
          %while3A_200 = arith.addi %mul3A_191, %while3A_199 : i32
          %while3A_201 = arith.constant 1 : i32
          %while3A_202 = scf.for %while3A_218 = %mul3A_191 to %while3A_200 step %while3A_201 iter_args(%while3A_219 = %broadcast_in_dim3A_77) -> (vector<16xi1>)  : i32 {
            %mul3A_220 = arith.constant 16 : i32
            %mul3A_221 = arith.muli %while3A_218, %mul3A_220 : i32
            %get3A = arith.index_cast %mul3A_221 : i32 to index
            %get3A_222 = tpu.vector_load %arg6[%get3A] {strides = array<i32>} : memref<19216xi32, #tpu.memory_space<vmem>>, vector<16xi32>,
            %shift_right_arithmetic3A = arith.constant 15 : i32
            %shift_right_arithmetic3A_223 = vector.broadcast %shift_right_arithmetic3A : i32 to vector<16xi32>
            %shift_right_arithmetic3A_224 = arith.shrsi %get3A_222, %shift_right_arithmetic3A_223 : vector<16xi32>
            %and3A_225 = arith.constant 32767 : i32
            %and3A_226 = vector.broadcast %and3A_225 : i32 to vector<16xi32>
            %and3A_227 = arith.andi %get3A_222, %and3A_226 : vector<16xi32>
            %mul3A_228 = arith.constant 16 : i32
            %mul3A_229 = arith.muli %while3A_218, %mul3A_228 : i32
            %add3A_230 = vector.broadcast %mul3A_229 : i32 to vector<16xi32>
            %add3A_231 = arith.addi %iota3A, %add3A_230 : vector<16xi32>
            %lt3A_232 = arith.cmpi slt, %add3A_231, %scan3A_85 : vector<16xi32>
            %gather3A = tpu.vector_load_idx %arg7[%and3A_227] masked %lt3A_232 : memref<19200xf32, #tpu.memory_space<vmem>>[vector<16xi32>], vector<16xf32>, vector<16xi1>
            %gather3A_233 = tpu.vector_load_idx %arg9[%shift_right_arithmetic3A_224] masked %lt3A_232 : memref<32400xf32, #tpu.memory_space<vmem>>[vector<16xi32>], vector<16xf32>, vector<16xi1>
            %max3A = arith.maximumf %gather3A_233, %gather3A : vector<16xf32>
            tpu.vector_store_idx %arg9[%shift_right_arithmetic3A_224], %max3A masked %lt3A_232 : memref<32400xf32, #tpu.memory_space<vmem>>[vector<16xi32>], vector<16xf32>, vector<16xi1>
            %gather3A_234 = tpu.vector_load_idx %arg9[%shift_right_arithmetic3A_224] masked %lt3A_232 : memref<32400xf32, #tpu.memory_space<vmem>>[vector<16xi32>], vector<16xf32>, vector<16xi1>
            %lt3A_235 = arith.cmpf olt, %gather3A_234, %gather3A : vector<16xf32>
            %and3A_236 = arith.andi %lt3A_232, %lt3A_235 : vector<16xi1>
            %or3A = arith.ori %while3A_219, %and3A_236 : vector<16xi1>
            scf.yield %or3A : vector<16xi1>
          }
          %while3A_203 = arith.constant 1 : i32
          %while3A_204 = scf.for %while3A_218 = %while3A_200 to %while3A_196 step %while3A_203 iter_args(%while3A_219 = %while3A_202) -> (vector<16xi1>)  : i32 {
            %mul3A_220 = arith.constant 16 : i32
            %mul3A_221 = arith.muli %while3A_218, %mul3A_220 : i32
            %get3A = arith.index_cast %mul3A_221 : i32 to index
            %get3A_222 = tpu.vector_load %arg6[%get3A] {strides = array<i32>} : memref<19216xi32, #tpu.memory_space<vmem>>, vector<16xi32>,
            %shift_right_arithmetic3A = arith.constant 15 : i32
            %shift_right_arithmetic3A_223 = vector.broadcast %shift_right_arithmetic3A : i32 to vector<16xi32>
            %shift_right_arithmetic3A_224 = arith.shrsi %get3A_222, %shift_right_arithmetic3A_223 : vector<16xi32>
            %and3A_225 = arith.constant 32767 : i32
            %and3A_226 = vector.broadcast %and3A_225 : i32 to vector<16xi32>
            %and3A_227 = arith.andi %get3A_222, %and3A_226 : vector<16xi32>
            %mul3A_228 = arith.constant 16 : i32
            %mul3A_229 = arith.muli %while3A_218, %mul3A_228 : i32
            %add3A_230 = vector.broadcast %mul3A_229 : i32 to vector<16xi32>
            %add3A_231 = arith.addi %iota3A, %add3A_230 : vector<16xi32>
            %lt3A_232 = arith.cmpi slt, %add3A_231, %scan3A_85 : vector<16xi32>
            %gather3A = tpu.vector_load_idx %arg7[%and3A_227] masked %lt3A_232 : memref<19200xf32, #tpu.memory_space<vmem>>[vector<16xi32>], vector<16xf32>, vector<16xi1>
            %gather3A_233 = tpu.vector_load_idx %arg9[%shift_right_arithmetic3A_224] masked %lt3A_232 : memref<32400xf32, #tpu.memory_space<vmem>>[vector<16xi32>], vector<16xf32>, vector<16xi1>
            %max3A = arith.maximumf %gather3A_233, %gather3A : vector<16xf32>
            tpu.vector_store_idx %arg9[%shift_right_arithmetic3A_224], %max3A masked %lt3A_232 : memref<32400xf32, #tpu.memory_space<vmem>>[vector<16xi32>], vector<16xf32>, vector<16xi1>
            %gather3A_234 = tpu.vector_load_idx %arg9[%shift_right_arithmetic3A_224] masked %lt3A_232 : memref<32400xf32, #tpu.memory_space<vmem>>[vector<16xi32>], vector<16xf32>, vector<16xi1>
            %lt3A_235 = arith.cmpf olt, %gather3A_234, %gather3A : vector<16xf32>
            %and3A_236 = arith.andi %lt3A_232, %lt3A_235 : vector<16xi1>
            %or3A = arith.ori %while3A_219, %and3A_236 : vector<16xi1>
            scf.yield %or3A : vector<16xi1>
          }
          %reduce_or3A = arith.constant 1.000000e+00 : f32
          %reduce_or3A_205 = arith.constant 0.000000e+00 : f32
          %reduce_or3A_206 = vector.broadcast %reduce_or3A : f32 to vector<16xf32>
          %reduce_or3A_207 = vector.broadcast %reduce_or3A_205 : f32 to vector<16xf32>
          %reduce_or3A_208 = arith.select %while3A_204, %reduce_or3A_206, %reduce_or3A_207 : vector<16xi1>, vector<16xf32>
          %reduce_or3A_209 = arith.constant true
          %reduce_or3A_210 = vector.broadcast %reduce_or3A_209 : i1 to vector<16xi1>
          %reduce_or3A_211 = tpu.scan <max>, %reduce_or3A_208 masked %reduce_or3A_210 : vector<16xf32>, vector<16xi1> -> vector<16xf32>
          %reduce_or3A_212 = vector.extract %reduce_or3A_211[15] : f32 from vector<16xf32>
          %reduce_or3A_213 = arith.constant 0.000000e+00 : f32
          %reduce_or3A_214 = arith.cmpf ogt, %reduce_or3A_212, %reduce_or3A_213 : f32
          %convert_element_type3A_215 = arith.extui %reduce_or3A_214 : i1 to i32
          %cond3A_216 = arith.constant 0 : i32
          %cond3A_217 = arith.cmpi ne, %convert_element_type3A_215, %cond3A_216 : i32
          scf.if %cond3A_217 {
            %mul3A_218 = arith.constant 60 : i32
            %mul3A_219 = arith.muli %scan3A_183, %mul3A_218 : i32
            %add3A_220 = arith.constant 1 : i32
            %add3A_221 = arith.addi %scan3A_183, %add3A_220 : i32
            %mul3A_222 = arith.constant 60 : i32
            %mul3A_223 = arith.muli %add3A_221, %mul3A_222 : i32
            %while3A_224 = arith.constant 0 : i32
            %while3A_225 = arith.subi %mul3A_223, %mul3A_219 : i32
            %while3A_226 = arith.addi %mul3A_219, %while3A_225 : i32
            %while3A_227 = arith.constant 1 : i32
            %while3A_228 = arith.divsi %while3A_225, %while3A_227 : i32
            %while3A_229 = arith.muli %while3A_228, %while3A_227 : i32
            %while3A_230 = arith.addi %mul3A_219, %while3A_229 : i32
            %while3A_231 = arith.constant 1 : i32
            scf.for %while3A_233 = %mul3A_219 to %while3A_230 step %while3A_231  : i32 {
              %mul3A_234 = arith.constant 16 : i32
              %mul3A_235 = arith.muli %while3A_233, %mul3A_234 : i32
              %get3A = arith.index_cast %mul3A_235 : i32 to index
              %get3A_236 = tpu.vector_load %arg6[%get3A] {strides = array<i32>} : memref<19216xi32, #tpu.memory_space<vmem>>, vector<16xi32>,
              %shift_right_arithmetic3A = arith.constant 15 : i32
              %shift_right_arithmetic3A_237 = vector.broadcast %shift_right_arithmetic3A : i32 to vector<16xi32>
              %shift_right_arithmetic3A_238 = arith.shrsi %get3A_236, %shift_right_arithmetic3A_237 : vector<16xi32>
              %and3A_239 = arith.constant 32767 : i32
              %and3A_240 = vector.broadcast %and3A_239 : i32 to vector<16xi32>
              %and3A_241 = arith.andi %get3A_236, %and3A_240 : vector<16xi32>
              %mul3A_242 = arith.constant 16 : i32
              %mul3A_243 = arith.muli %while3A_233, %mul3A_242 : i32
              %add3A_244 = vector.broadcast %mul3A_243 : i32 to vector<16xi32>
              %add3A_245 = arith.addi %iota3A, %add3A_244 : vector<16xi32>
              %lt3A_246 = arith.cmpi slt, %add3A_245, %scan3A_85 : vector<16xi32>
              %gather3A = tpu.vector_load_idx %arg7[%and3A_241] masked %lt3A_246 : memref<19200xf32, #tpu.memory_space<vmem>>[vector<16xi32>], vector<16xf32>, vector<16xi1>
              %gather3A_247 = tpu.vector_load_idx %arg9[%shift_right_arithmetic3A_238] masked %lt3A_246 : memref<32400xf32, #tpu.memory_space<vmem>>[vector<16xi32>], vector<16xf32>, vector<16xi1>
              %lt3A_248 = arith.cmpf olt, %gather3A_247, %gather3A : vector<16xf32>
              %and3A_249 = arith.andi %lt3A_246, %lt3A_248 : vector<16xi1>
              %reduce_or3A_250 = arith.constant 1.000000e+00 : f32
              %reduce_or3A_251 = arith.constant 0.000000e+00 : f32
              %reduce_or3A_252 = vector.broadcast %reduce_or3A_250 : f32 to vector<16xf32>
              %reduce_or3A_253 = vector.broadcast %reduce_or3A_251 : f32 to vector<16xf32>
              %reduce_or3A_254 = arith.select %and3A_249, %reduce_or3A_252, %reduce_or3A_253 : vector<16xi1>, vector<16xf32>
              %reduce_or3A_255 = arith.constant true
              %reduce_or3A_256 = vector.broadcast %reduce_or3A_255 : i1 to vector<16xi1>
              %reduce_or3A_257 = tpu.scan <max>, %reduce_or3A_254 masked %reduce_or3A_256 : vector<16xf32>, vector<16xi1> -> vector<16xf32>
              %reduce_or3A_258 = vector.extract %reduce_or3A_257[15] : f32 from vector<16xf32>
              %reduce_or3A_259 = arith.constant 0.000000e+00 : f32
              %reduce_or3A_260 = arith.cmpf ogt, %reduce_or3A_258, %reduce_or3A_259 : f32
              %convert_element_type3A_261 = arith.extui %reduce_or3A_260 : i1 to i32
              %cond3A_262 = arith.constant 0 : i32
              %cond3A_263 = arith.cmpi ne, %convert_element_type3A_261, %cond3A_262 : i32
              scf.if %cond3A_263 {
                %scan3A_264 = arith.constant 0 : i32
                %scan3A_265 = arith.constant 16 : i32
                %scan3A_266 = arith.addi %scan3A_264, %scan3A_265 : i32
                %scan3A_267 = arith.constant 1 : i32
                %scan3A_268 = scf.for %scan3A_270 = %scan3A_264 to %scan3A_266 step %scan3A_267 iter_args(%scan3A_271 = %and3A_249) -> (vector<16xi1>)  : i32 {
                  %gather3A_272 = tpu.vector_load_idx %arg9[%shift_right_arithmetic3A_238] masked %scan3A_271 : memref<32400xf32, #tpu.memory_space<vmem>>[vector<16xi32>], vector<16xf32>, vector<16xi1>
                  %max3A = arith.maximumf %gather3A_272, %gather3A : vector<16xf32>
                  tpu.vector_store_idx %arg9[%shift_right_arithmetic3A_238], %max3A masked %scan3A_271 : memref<32400xf32, #tpu.memory_space<vmem>>[vector<16xi32>], vector<16xf32>, vector<16xi1>
                  %gather3A_273 = tpu.vector_load_idx %arg9[%shift_right_arithmetic3A_238] masked %scan3A_271 : memref<32400xf32, #tpu.memory_space<vmem>>[vector<16xi32>], vector<16xf32>, vector<16xi1>
                  %lt3A_274 = arith.cmpf olt, %gather3A_273, %gather3A : vector<16xf32>
                  %and3A_275 = arith.andi %scan3A_271, %lt3A_274 : vector<16xi1>
                  scf.yield %and3A_275 : vector<16xi1>
                }
                %scan3A_269 = arith.constant 16 : i32
              } else {
              }
            }
            %while3A_232 = arith.constant 1 : i32
            scf.for %while3A_233 = %while3A_230 to %while3A_226 step %while3A_232  : i32 {
              %mul3A_234 = arith.constant 16 : i32
              %mul3A_235 = arith.muli %while3A_233, %mul3A_234 : i32
              %get3A = arith.index_cast %mul3A_235 : i32 to index
              %get3A_236 = tpu.vector_load %arg6[%get3A] {strides = array<i32>} : memref<19216xi32, #tpu.memory_space<vmem>>, vector<16xi32>,
              %shift_right_arithmetic3A = arith.constant 15 : i32
              %shift_right_arithmetic3A_237 = vector.broadcast %shift_right_arithmetic3A : i32 to vector<16xi32>
              %shift_right_arithmetic3A_238 = arith.shrsi %get3A_236, %shift_right_arithmetic3A_237 : vector<16xi32>
              %and3A_239 = arith.constant 32767 : i32
              %and3A_240 = vector.broadcast %and3A_239 : i32 to vector<16xi32>
              %and3A_241 = arith.andi %get3A_236, %and3A_240 : vector<16xi32>
              %mul3A_242 = arith.constant 16 : i32
              %mul3A_243 = arith.muli %while3A_233, %mul3A_242 : i32
              %add3A_244 = vector.broadcast %mul3A_243 : i32 to vector<16xi32>
              %add3A_245 = arith.addi %iota3A, %add3A_244 : vector<16xi32>
              %lt3A_246 = arith.cmpi slt, %add3A_245, %scan3A_85 : vector<16xi32>
              %gather3A = tpu.vector_load_idx %arg7[%and3A_241] masked %lt3A_246 : memref<19200xf32, #tpu.memory_space<vmem>>[vector<16xi32>], vector<16xf32>, vector<16xi1>
              %gather3A_247 = tpu.vector_load_idx %arg9[%shift_right_arithmetic3A_238] masked %lt3A_246 : memref<32400xf32, #tpu.memory_space<vmem>>[vector<16xi32>], vector<16xf32>, vector<16xi1>
              %lt3A_248 = arith.cmpf olt, %gather3A_247, %gather3A : vector<16xf32>
              %and3A_249 = arith.andi %lt3A_246, %lt3A_248 : vector<16xi1>
              %reduce_or3A_250 = arith.constant 1.000000e+00 : f32
              %reduce_or3A_251 = arith.constant 0.000000e+00 : f32
              %reduce_or3A_252 = vector.broadcast %reduce_or3A_250 : f32 to vector<16xf32>
              %reduce_or3A_253 = vector.broadcast %reduce_or3A_251 : f32 to vector<16xf32>
              %reduce_or3A_254 = arith.select %and3A_249, %reduce_or3A_252, %reduce_or3A_253 : vector<16xi1>, vector<16xf32>
              %reduce_or3A_255 = arith.constant true
              %reduce_or3A_256 = vector.broadcast %reduce_or3A_255 : i1 to vector<16xi1>
              %reduce_or3A_257 = tpu.scan <max>, %reduce_or3A_254 masked %reduce_or3A_256 : vector<16xf32>, vector<16xi1> -> vector<16xf32>
              %reduce_or3A_258 = vector.extract %reduce_or3A_257[15] : f32 from vector<16xf32>
              %reduce_or3A_259 = arith.constant 0.000000e+00 : f32
              %reduce_or3A_260 = arith.cmpf ogt, %reduce_or3A_258, %reduce_or3A_259 : f32
              %convert_element_type3A_261 = arith.extui %reduce_or3A_260 : i1 to i32
              %cond3A_262 = arith.constant 0 : i32
              %cond3A_263 = arith.cmpi ne, %convert_element_type3A_261, %cond3A_262 : i32
              scf.if %cond3A_263 {
                %scan3A_264 = arith.constant 0 : i32
                %scan3A_265 = arith.constant 16 : i32
                %scan3A_266 = arith.addi %scan3A_264, %scan3A_265 : i32
                %scan3A_267 = arith.constant 1 : i32
                %scan3A_268 = scf.for %scan3A_270 = %scan3A_264 to %scan3A_266 step %scan3A_267 iter_args(%scan3A_271 = %and3A_249) -> (vector<16xi1>)  : i32 {
                  %gather3A_272 = tpu.vector_load_idx %arg9[%shift_right_arithmetic3A_238] masked %scan3A_271 : memref<32400xf32, #tpu.memory_space<vmem>>[vector<16xi32>], vector<16xf32>, vector<16xi1>
                  %max3A = arith.maximumf %gather3A_272, %gather3A : vector<16xf32>
                  tpu.vector_store_idx %arg9[%shift_right_arithmetic3A_238], %max3A masked %scan3A_271 : memref<32400xf32, #tpu.memory_space<vmem>>[vector<16xi32>], vector<16xf32>, vector<16xi1>
                  %gather3A_273 = tpu.vector_load_idx %arg9[%shift_right_arithmetic3A_238] masked %scan3A_271 : memref<32400xf32, #tpu.memory_space<vmem>>[vector<16xi32>], vector<16xf32>, vector<16xi1>
                  %lt3A_274 = arith.cmpf olt, %gather3A_273, %gather3A : vector<16xf32>
                  %and3A_275 = arith.andi %scan3A_271, %lt3A_274 : vector<16xi1>
                  scf.yield %and3A_275 : vector<16xi1>
                }
                %scan3A_269 = arith.constant 16 : i32
              } else {
              }
            }
          } else {
          }
        } else {
        }
      }
      %scan3A_173 = arith.constant 20 : i32
      %mul3A_174 = arith.constant 64 : i32
      %mul3A_175 = arith.muli %select_n3A, %mul3A_174 : i32
      %add3A_176 = arith.addi %mul3A_175, %add3A_121 : i32
      %mul3A_177 = arith.constant 129600 : i32
      %mul3A_178 = arith.muli %add3A_176, %mul3A_177 : i32
      %add3A_179 = arith.addi %mul3A_178, %mul3A_74 : i32
      %multiple_of3A_180 = tpu.assume_multiple %add3A_179, 16 : i32
      %dma_start3A_181 = tpu.memref_slice %arg4[%multiple_of3A_180] : memref<33177600xf32, #tpu.memory_space<hbm>> -> memref<32400xf32, #tpu.memory_space<hbm>>
      %dma_start3A_182 = tpu.memref_slice %arg4[%multiple_of3A_180] : memref<33177600xf32, #tpu.memory_space<hbm>> -> memref<32400xf32, #tpu.memory_space<hbm>>
      tpu.enqueue_dma source(%arg9 : memref<32400xf32, #tpu.memory_space<vmem>>) target(%dma_start3A_182 : memref<32400xf32, #tpu.memory_space<hbm>>) target_semaphore(%arg11 : memref<!tpu.dma_semaphore, #tpu.memory_space<semaphore_mem>>)
    }
    %scan3A_98 = arith.constant 16 : i32
    %mul3A_99 = arith.constant 64 : i32
    %mul3A_100 = arith.muli %select_n3A, %mul3A_99 : i32
    %add3A_101 = arith.addi %mul3A_100, %mul3A_72 : i32
    %mul3A_102 = arith.constant 129600 : i32
    %mul3A_103 = arith.muli %add3A_101, %mul3A_102 : i32
    %add3A_104 = arith.addi %mul3A_103, %mul3A_74 : i32
    %multiple_of3A_105 = tpu.assume_multiple %add3A_104, 16 : i32
    %dma_wait3A = tpu.memref_slice %arg4[%multiple_of3A_105] : memref<33177600xf32, #tpu.memory_space<hbm>> -> memref<32400xf32, #tpu.memory_space<hbm>>
    %dma_wait3A_106 = tpu.memref_slice %arg4[%multiple_of3A_105] : memref<33177600xf32, #tpu.memory_space<hbm>> -> memref<32400xf32, #tpu.memory_space<hbm>>
    tpu.wait_dma2 semaphore(%arg10 : memref<!tpu.dma_semaphore, #tpu.memory_space<semaphore_mem>>) src(%arg8 : memref<32400xf32, #tpu.memory_space<vmem>>) dst(%dma_wait3A_106 : memref<32400xf32, #tpu.memory_space<hbm>>)
    %mul3A_107 = arith.constant 64 : i32
    %mul3A_108 = arith.muli %select_n3A, %mul3A_107 : i32
    %add3A_109 = arith.addi %mul3A_108, %mul3A_72 : i32
    %mul3A_110 = arith.constant 129600 : i32
    %mul3A_111 = arith.muli %add3A_109, %mul3A_110 : i32
    %add3A_112 = arith.addi %mul3A_111, %mul3A_74 : i32
    %multiple_of3A_113 = tpu.assume_multiple %add3A_112, 16 : i32
    %dma_wait3A_114 = tpu.memref_slice %arg4[%multiple_of3A_113] : memref<33177600xf32, #tpu.memory_space<hbm>> -> memref<32400xf32, #tpu.memory_space<hbm>>
    %dma_wait3A_115 = tpu.memref_slice %arg4[%multiple_of3A_113] : memref<33177600xf32, #tpu.memory_space<hbm>> -> memref<32400xf32, #tpu.memory_space<hbm>>
    tpu.wait_dma2 semaphore(%arg11 : memref<!tpu.dma_semaphore, #tpu.memory_space<semaphore_mem>>) src(%arg9 : memref<32400xf32, #tpu.memory_space<vmem>>) dst(%dma_wait3A_115 : memref<32400xf32, #tpu.memory_space<hbm>>)
    return
  }
}

</mosaic_0001>

<sc_bundles>
// kernel: _scatter3d.3.cloned.1.call-start
scs
__scs_entry_jumppad:
0x0: {  	(pc) =	sbr.rel $0x88, $3  }
0x1: {  	(tag) =	ssettag $0x0;
	lr =	simm.s32 $0x1  }
0x2: {  	[smem:$0x3F9F] =	sst lr;
	_ =	strace $0xD0000000  }
0x3: {  	_ = 	snop  }
0x4: {  	_ = 	snop  }
0x5: {  	_ = 	snop  }
0x6: {  	_ = 	snop  }
0x7: {  	_ = 	snop  }
__scs_overlays_trampoline_lowered:
0x8: {  	[smem:$0x3FAE] =	sst s0  }
0x9: {  	[smem:$0x3FAF] =	sst s1  }
0xa: {  	[smem:$0x3FB0] =	sst s2  }
0xb: {  	[smem:$0x3FB1] =	sst s3  }
0xc: {  	[smem:$0x3FB2] =	sst s4  }
0xd: {  	[smem:$0x3FB3] =	sst s5  }
0xe: {  	[smem:$0x3FB4] =	sst s6  }
0xf: {  	[smem:$0x3FB5] =	sst s7  }
0x10: {  	[smem:$0x3FB6] =	sst s8  }
0x11: {  	[smem:$0x3FB7] =	sst s9;
	s0 =	simm.s32 @!p0 $0x0  }
0x12: {  	s1 =	sld [smem:$0x3F9D];
	s0 =	simm.s32 @p0 $0x1  }
0x13: {  	[smem:$0x3FB8] =	sst s0;
	s0 =	simm.s32 @!p1 $0x0  }
0x14: {  	s2 =	sld [smem:$0x3F9C];
	s0 =	simm.s32 @p1 $0x1  }
0x15: {  	[smem:$0x3FB9] =	sst s0;
	s0 =	simm.s32 @!p2 $0x0  }
0x16: {  	s3 =	sld [smem:$0x3FDB];
	s0 =	simm.s32 @p2 $0x1  }
0x17: {  	s4 =	simm.s32 $0x1BF5;
	[smem:$0x3FBB] =	sst s0  }
0x18: {  	s0 =	sld [smem:$0x3F9E];
	_ =	swait.ge [sflag:s4], $0x0  }
0x19: {  	s7 =	sld [smem:$0x3F9F]  }
0x1a: {  	s8 =	sadd.s32 $0xFFFFE003, lr  }
0x1b: {  	s9 =	sadd.s32 $0xFFFFFEF7, lr;
	s5 =	simm.s32 $0xFFFFFFFF;
	p2 =	slt.u32 s8, $0xFFFFF086  }
0x1c: {  	p1 =	slt.u32 s9, $0xF7A;
	s5 =	simm.s32 @!p2 $0x0  }
0x1d: {  	s5 =	simm.s32 @p1 $0x1;
	p0 =	seq.s32 s7, s2  }
0x1e: {  	s7 =	smul.u32 @!p0 $0xF7A, s2;
	p2 =	seq.s32 @!p0 s5, $0x0  }
0x1f: {  	s9 =	smul.u32 $0xF7A, s1;
	s8 =	simm.s32 @!p0 $0x1BF5;
	p2 =	por !p2, p0  }
0x20: {  	[sflag:s8] =	ssyncset.s32 @!p0 $0xFFFFF086;
	s6 =	sadd.s32 @!p0 s3, s7;
	s7 =	simm.s32 @!p0 $0x108  }
0x21: {  	s3 =	sadd.s32 s3, s9;
	s6 =	sadd.s32 @!p0 $0x88, s6;
	s7 =	simm.s32 @p2 $0x1082  }
0x22: {  	[simem:s7], [sflag:s8] =	dma.local @!p0 [hbm:s6], $0xF7A  }
0x23: {  	s9 =	sor.u32 $0xD0000000, s2;
	s6 =	simm.s32 $0x108;
	_ =	swait.ge @!p0 [sflag:s8], $0x0  }
0x24: {  	s3 =	sadd.s32 $0x88, s3;
	s6 =	simm.s32 @!p1 $0x1082;
	[sflag:s4] =	ssyncset.s32 $0xFFFFF086  }
0x25: {  	[simem:s6], [sflag:s4] =	dma.local [hbm:s3], $0xF7A  }
0x26: {  	[smem:$0x3F9F] =	sst s1;
	(tag) =	ssettag s2;
	_ =	strace s9  }
0x27: {  	s1 =	sld [smem:$0x3FAF]  }
0x28: {  	s2 =	sld [smem:$0x3FB0]  }
0x29: {  	s4 =	sld [smem:$0x3FB2]  }
0x2a: {  	p0 =	seq.s32 s5, $0x0;
	s5 =	sld [smem:$0x3FB3]  }
0x2b: {  	s6 =	sld [smem:$0x3FB4]  }
0x2c: {  	s7 =	sld [smem:$0x3FB5]  }
0x2d: {  	s3 =	simm.s32 $0x108;
	s8 =	sld [smem:$0x3FB6]  }
0x2e: {  	s3 =	simm.s32 @!p0 $0x1082;
	s9 =	sld [smem:$0x3FB7]  }
0x2f: {  	lr =	sadd.s32 s0, s3;
	s0 =	sld [smem:$0x3FAE]  }
0x30: {  	s3 =	sld [smem:$0x3FB1]  }
0x31: {  	[smem:$0x3FBA] =	sst s10  }
0x32: {  	s10 =	sld [smem:$0x3FB8];
	_ =	sdelay $0x3  }
0x33: {  	p0 =	seq.s32 s10, $0x1;
	s10 =	sld [smem:$0x3FBA];
	_ =	sdelay $0x3  }
0x34: {  	[smem:$0x3FBA] =	sst s10  }
0x35: {  	s10 =	sld [smem:$0x3FB9];
	_ =	sdelay $0x3  }
0x36: {  	p1 =	seq.s32 s10, $0x1;
	s10 =	sld [smem:$0x3FBA];
	_ =	sdelay $0x3  }
0x37: {  	[smem:$0x3FBA] =	sst s10  }
0x38: {  	s10 =	sld [smem:$0x3FBB]  }
0x39: {  	_ = 	snop;
	(pc) =	sbr.ind lr, $3  }
0x3a: {  	_ = 	snop  }
0x3b: {  	_ = 	snop  }
0x3c: {  	p2 =	seq.s32 s10, $0x1;
	s10 =	sld [smem:$0x3FBA]  }
0x3d: {  	_ =	shalt  }
0x3e: {  	_ =	shalt  }
0x3f: {  	_ =	shalt  }
0x40: {  	_ =	shalt  }
0x41: {  	_ =	shalt  }
0x42: {  	_ =	shalt  }
0x43: {  	_ =	shalt  }
0x44: {  	_ =	shalt  }
0x45: {  	_ =	shalt  }
0x46: {  	_ =	shalt  }
0x47: {  	_ =	shalt  }
0x48: {  	_ =	shalt  }
0x49: {  	_ =	shalt  }
0x4a: {  	_ =	shalt  }
0x4b: {  	_ =	shalt  }
0x4c: {  	_ =	shalt  }
0x4d: {  	_ =	shalt  }
0x4e: {  	_ =	shalt  }
0x4f: {  	_ =	shalt  }
0x50: {  	_ =	shalt  }
0x51: {  	_ =	shalt  }
0x52: {  	_ =	shalt  }
0x53: {  	_ =	shalt  }
0x54: {  	_ =	shalt  }
0x55: {  	_ =	shalt  }
0x56: {  	_ =	shalt  }
0x57: {  	_ =	shalt  }
0x58: {  	_ =	shalt  }
0x59: {  	_ =	shalt  }
0x5a: {  	_ =	shalt  }
0x5b: {  	_ =	shalt  }
0x5c: {  	_ =	shalt  }
0x5d: {  	_ =	shalt  }
0x5e: {  	_ =	shalt  }
0x5f: {  	_ =	shalt  }
0x60: {  	_ =	shalt  }
0x61: {  	_ =	shalt  }
0x62: {  	_ =	shalt  }
0x63: {  	_ =	shalt  }
0x64: {  	_ =	shalt  }
0x65: {  	_ =	shalt  }
0x66: {  	_ =	shalt  }
0x67: {  	_ =	shalt  }
0x68: {  	_ =	shalt  }
0x69: {  	_ =	shalt  }
0x6a: {  	_ =	shalt  }
0x6b: {  	_ =	shalt  }
0x6c: {  	_ =	shalt  }
0x6d: {  	_ =	shalt  }
0x6e: {  	_ =	shalt  }
0x6f: {  	_ =	shalt  }
0x70: {  	_ =	shalt  }
0x71: {  	_ =	shalt  }
0x72: {  	_ =	shalt  }
0x73: {  	_ =	shalt  }
0x74: {  	_ =	shalt  }
0x75: {  	_ =	shalt  }
0x76: {  	_ =	shalt  }
0x77: {  	_ =	shalt  }
0x78: {  	_ =	shalt  }
0x79: {  	_ =	shalt  }
0x7a: {  	_ =	shalt  }
0x7b: {  	_ =	shalt  }
0x7c: {  	_ =	shalt  }
0x7d: {  	_ =	shalt  }
0x7e: {  	_ =	shalt  }
0x7f: {  	_ =	shalt  }
0x80: {  	_ =	shalt  }
0x81: {  	_ =	shalt  }
0x82: {  	_ =	shalt  }
0x83: {  	_ =	shalt  }
0x84: {  	_ =	shalt  }
0x85: {  	_ =	shalt  }
0x86: {  	_ =	shalt  }
0x87: {  	_ =	shalt  }
.Lfunc_end0:
.L_simem_size_0:
called_computation_lowered:
.L_overlay_start_0:
0x88: {  	s2 =	sld [smem:$0x3FD9]  }
0x89: {  	s3 =	sld [smem:$0x3FFE];
	_ =	sdelay $0x1  }
0x8a: {  	s1 =	srdreg.scid  }
0x8b: {  	s0 =	sand.u32 $0x1, s1  }
0x8c: {  	s18 =	sshll.u32 s0, $0xA;
	s2 =	sadd.s32 s3, s2  }
0x8d: {  	s2 =	sadd.s32 s2, s18  }
0x8e: {  	[smem:$0x3FC6] =	sst s2  }
0x8f: {  	_ = 	snop  }
0x90: {  	s2 =	sld [smem:$0x3FC9]  }
0x91: {  	s19 =	sld [smem:$0x3FC8]  }
0x92: {  	s4 =	sld [smem:$0x3FD0];
	(tm) =	ssettm $0x1  }
0x93: {  	s5 =	sld [smem:$0x3FFB];
	_ =	sdelay $0x3  }
0x94: {  	_ =	strace s5  }
0x95: {  	s5 =	sld [smem:$0x3FFC];
	_ =	sdelay $0x3  }
0x96: {  	_ =	strace s5  }
0x97: {  	s5 =	sld [smem:$0x3FFD];
	_ =	sdelay $0x3  }
0x98: {  	_ =	strace s5  }
0x99: {  	_ =	strace $0x8FFFFFFF  }
0x9a: {  	s20 =	sld [smem:$0x3FDB];
	_ =	sdelay $0x1  }
0x9b: {  	s6 =	simm.s32 $_scs_section_size  }
0x9c: {  	s7 =	simm.s32 $_size__tile_overlayer_lowered;
	s8 =	simm.s32 $_tile_overlayer_lowered  }
0x9d: {  	s23 =	simm.s32 $0x1BFF;
	s22 =	sshll.u32 s8, $0x1;
	s5 =	sadd.s32 s6, s20  }
0x9e: {  	s9 =	simm.s32 $0x0;
	s21 =	sshll.u32 s7, $0x1;
	s7 =	sadd.s32 s22, s5  }
0x9f: {  	[timem:s9], [sflag:s23] =	dma.local [hbm:s7], s21  }
0xa0: {  	_ =	swait.ge [sflag:s23], s21  }
0xa1: {  	s6 =	ssub.s32 $0x0, s21;
	[sflag:s23] =	ssyncset.done $0x0  }
0xa2: {  	[sflag:s23] =	ssyncadd.s32 s6;
	_ =	sdelay $0x1  }
0xa3: {  	s24 =	simm.s32 $0x1B8B  }
0xa4: {  	_ =	swait.ge [sflag:s24], $0x1  }
0xa5: {  	[sflag:s24] =	ssyncset.done $0x0  }
0xa6: {  	s25 =	simm.s32 $0x1B8E;
	[sflag:s24] =	ssyncadd.s32 $0xFFFFFFFF  }
0xa7: {  	s26 =	simm.s32 $execute0_lowered;
	[smem:$0x3FD2] =	sst s25  }
0xa8: {  	s6 =	sshll.u32 s26, $0x1;
	_ =	strace $0x80000046;
	[dreg:$0x1] =	wrdreg $0xFFFFFFFF  }
0xa9: {  	s28 =	simm.s32 $_size_execute0_lowered;
	s5 =	sadd.s32 s5, s6;
	[dreg:$0x0] =	wrdreg $0x0  }
0xaa: {  	s6 =	sshll.u32 s28, $0x1;
	[dreg:$0x2] =	wrdreg s5  }
0xab: {  	[dreg:$0x3] =	wrdreg s6  }
0xac: {  	[dreg:$0x4] =	wrdreg $0xC0  }
0xad: {  	_ =	task [dreg:s9], $0x5FFFF  }
0xae: {  	[dreg:$0x1] =	wrdreg $0xFFFFFFFF  }
0xaf: {  	[dreg:$0x0] =	wrdreg $0x60  }
0xb0: {  	[dreg:$0x2] =	wrdreg s2  }
0xb1: {  	[dreg:$0x3] =	wrdreg s19  }
0xb2: {  	[dreg:$0x4] =	wrdreg s4  }
0xb3: {  	[dreg:$0x5] =	wrdreg $0x9  }
0xb4: {  	_ =	task.clear_ibuf [dreg:s9], $0x6FFFF;
	_ =	strace $0x90000046  }
0xb5: {  	s29 =	simm.s32 $0x9;
	_ =	strace $0x80000048  }
0xb6: {  	_ =	swait.ge [sflag:s29], $0x1  }
0xb7: {  	[sflag:s29] =	ssyncadd.s32 $0xFFFFFFFF  }
0xb8: {  	_ =	strace $0x90000048  }
0xb9: {  	_ =	sfence  }
0xba: {  	s30 =	sld [smem:$0x0];
	_ =	sdelay $0x2  }
0xbb: {  	s31 =	sshll.u32 s1, $0xD;
	s1 =	sshrl.u32 s1, $0x2  }
0xbc: {  	s3 =	sand.u32 $0x4000, s31;
	s1 =	sadd.s32 s1, s30  }
0xbd: {  	s0 =	sor.u32 s3, s0;
	s1 =	sshll.u32 s1, $0x11  }
0xbe: {  	s0 =	sor.u32 s1, s0  }
0xbf: {  	s0 =	sadd.s32 $0x8F2B, s0  }
0xc0: {  	[sflag:s0] =	ssyncadd.remote.s32 $0x1  }
0xc1: {  	_ =	sfence.sel $0xFFFF  }
0xc2: {  	[dreg:$0x0] =	wrdreg $0xFFFFFFFF;
	(pc) =	sbr.abs _section_cstart, $3  }
0xc3: {  	[dreg:$0x1] =	wrdreg $0xFFFFFFFF  }
0xc4: {  	_ =	task.clear_ibuf [dreg:s9], $0x2FFFF;
	_ =	strace $0x9FFFFFFF  }
0xc5: {  	(tm) =	ssettm $0x7FFFFFFF  }
tec
execute0_lowered:
.L_overlay_start_1:
0x0: {  	(tag) =	ssettag $0x1  }
0x1: {  	s1 =	srdreg.scid  }
0x2: {  	s0 =	stileid.u32;
	s7 =	sand.u32 $0x1, s1  }
0x3: {  	s1 =	sor.u32 s7, s0  }
0x4: {  	p1 =	seq.s32 s7, $0x1;
	p0 =	seq.s32 s1, $0x0  }
0x5: {  	s8 =	rddreg [dreg:$0x1];
	p0 =	por !p0, !p1  }
0x6: {  	s2 =	simm.s32 $0x1;
	s3 =	rddreg [dreg:$0x2];
	p0 =	por !p0, !p0  }
0x7: {  	s4 =	simm.s32 $0x0;
	s12 =	simm.s32 $0x4B00;
	s2 =	simm.s32 @!p0 $0x0  }
0x8: {  	s13 =	simm.s32 $0x9680;
	s14 =	simm.s32 $0xE180;
	s5 =	ssub.s32 s0, s2  }
0x9: {  	s15 =	simm.s32 $0x16080;
	s16 =	simm.s32 $0x2;
	s5 =	sand.u32 $0x3, s5  }
0xa: {  	s17 =	simm.s32 $0x0;
	s9 =	sshrl.u32 s0, $0x2;
	s5 =	smul.u32 $0x7E90, s5  }
.Ltmp0:
0xb: {  	[smem:$0x7FF] =	sst s4;
	s6 =	ssub.s32 $0x2, s7;
	(pc) =	sbr.rel .LBB2_1-.Ltmp0, $4  }
0xc: {  	s11 =	smul.u32 $0x960, s9;
	s7 =	sshll.u32 s7, $0x5;
	s10 =	sshrl.u32 s6, $0x1  }
0xd: {  	s9 =	sshll.u32 s9, $0x6;
	s1 =	rddreg [dreg:$0x0];
	s10 =	ssub.s32 s6, s10;
	v0 =	vmov s5  }
0xe: {  	v1 =	vlaneseq.u32;
	v2 =	vimm.s32 $0x0;
	s6 =	simm.s32 $0x1;
	s8 =	sadd.s32 s8, s11;
	s11 =	simm.s32 $0x3;
	v0 =	vsub.s32 $0x0, v0  }
0xf: {  	v3 =	vimm.f32 $0.0e+00;
	vm0 =	vmxor vm0, vm0;
	s10 =	smax.u32 s10, $0x1;
	s2 =	rddreg [dreg:$0x3];
	_ =	strace $0x80000047;
	v0 =	vbroadcast v0, $0x0  }
.LBB2_37:
0x10: {  	s17 =	sadd.s32 $0x1, s17  }
0x11: {  	_ =	swait.ge [sflag:s6], $0x7E90;
	p0 =	sne.s32 s17, s10  }
.Ltmp1:
0x12: {  	[sflag:s6] =	ssyncset.done $0x0;
	(pc) =	sbr.rel @!p0 .LBB2_38-.Ltmp1, $4  }
0x13: {  	[sflag:s6] =	ssyncadd.s32 $0xFFFF8170  }
0x14: {  	_ =	swait.ge [sflag:s16], $0x7E90  }
0x15: {  	[sflag:s16] =	ssyncset.done $0x0  }
0x16: {  	[sflag:s16] =	ssyncadd.s32 $0xFFFF8170  }
.LBB2_1:
0x17: {  	[tilespmem:s4], [sflag:$0x3] =	stream.linear.gather [hbm4b:s8+s4], $0x4B00, $0x38;
	[tilespmem:$0x1DF80] =	vst v63  }
0x18: {  	_ =	swait.ge [sflag:s11], $0x4B00  }
0x19: {  	[sflag:s11] =	ssyncset.done $0x0  }
0x1a: {  	s18 =	simm.s32 $0x0;
	s19 =	simm.s32 $0x0;
	v4 =	vimm.s32 $0x0;
	[sflag:s11] =	ssyncadd.s32 $0xFFFFB500  }
.LBB2_2:
0x1b: {  	v5 =	vld [tilespmem:s18+$0x0];
	_ =	sdelay $0x4  }
0x1c: {  	v6 =	vshra.s32 v5, $0x2  }
0x1d: {  	v6 =	vmul.u32 $0x8889, v6;
	_ =	sdelay $0x1  }
0x1e: {  	v7 =	vshra.s32 v6, $0x15  }
0x1f: {  	v7 =	vmul.u32 $0x1C72, v7  }
0x20: {  	v6 =	vshra.s32 v6, $0x13  }
0x21: {  	v8 =	vmul.u32 $0xFFFFFFC4, v6;
	v7 =	vshra.s32 v7, $0x10  }
0x22: {  	v9 =	vmul.u32 $0xFFFFFFDC, v7  }
0x23: {  	v5 =	vadd.s32 v5, v8  }
0x24: {  	v5 =	vmul.u32 $0x870, v5;
	v6 =	vadd.s32 v6, v9  }
0x25: {  	v7 =	vadd.s32 v0, v7;
	v6 =	vmul.u32 $0x3C, v6  }
0x26: {  	v5 =	vadd.s32 v5, v7  }
0x27: {  	v5 =	vadd.s32 v6, v5  }
0x28: {  	vm1 =	vlt.u32 v5, $0x7E90  }
0x29: {  	v6 =	vsel vm1, $0x1, v2  }
0x2a: {  	(xrf0) =	vadd.scan.msk.s32 $0xffff, v6;
	_ =	sdelay $0x5  }
0x2b: {  	v6, _, _ =	vpop (xrf0)  }
0x2c: {  	v6 =	vadd.s32 v6, v4  }
0x2d: {  	p0 =	sne.s32 s19, $0x4AF0;
	v6 =	vadd.s32 $0xFFFFFFFF, v6  }
.Ltmp2:
0x2e: {  	_ = 	snop;
	(pc) =	sbr.rel @p0 .LBB2_2-.Ltmp2, $4  }
0x2f: {  	v5 =	vshll.u32 v5, $0xF  }
0x30: {  	v5 =	vadd.s32 s19, v5;
	v7 =	vmpcnt.ones.xlane vm1  }
0x31: {  	v5 =	vadd.s32 v1, v5  }
0x32: {  	s18 =	sadd.s32 $0x10, s18;
	s19 =	sadd.s32 $0x10, s19;
	v4 =	vadd.s32 v4, v7;
	[tilespmem:v6+s12+$0x0] =	vst.idx.msk vm1, v5  }
0x33: {  	s18 =	simm.s32 $0x0;
	s19 =	simm.s32 $0x140  }
.LBB2_4:
0x34: {  	p0 =	sne.s32 s19, $0x1F900;
	[tilespmem:s18+$0x160C0] =	vst v3  }
0x35: {  	[tilespmem:s18+$0xE180] =	vst v3  }
0x36: {  	[tilespmem:s18+$0x16080] =	vst v3  }
0x37: {  	[tilespmem:s18+$0xE190] =	vst v3  }
0x38: {  	[tilespmem:s18+$0x16090] =	vst v3  }
.Ltmp3:
0x39: {  	[tilespmem:s18+$0xE1A0] =	vst v3;
	(pc) =	sbr.rel @p0 .LBB2_4-.Ltmp3, $4  }
0x3a: {  	[tilespmem:s18+$0x160A0] =	vst v3  }
0x3b: {  	[tilespmem:s18+$0xE1B0] =	vst v3  }
0x3c: {  	[tilespmem:s18+$0x160B0] =	vst v3  }
0x3d: {  	[tilespmem:s18+$0xE1C0] =	vst v3;
	s18 =	sshra.s32 s19, $0x2;
	s19 =	sadd.s32 $0x140, s19  }
0x3e: {  	(v2sf) =	vpush v4, $0x0;
	_ =	sdelay $0x5  }
0x3f: {  	[tilespmem:s18+$0x160C0] =	vst v3  }
0x40: {  	[tilespmem:s18+$0xE180] =	vst v3  }
0x41: {  	[tilespmem:s18+$0x16080] =	vst v3  }
0x42: {  	[tilespmem:s18+$0xE190] =	vst v3  }
0x43: {  	[tilespmem:s18+$0x16090] =	vst v3  }
.Ltmp4:
0x44: {  	[tilespmem:s18+$0xE1A0] =	vst v3;
	(pc) =	sbr.rel .LBB2_6-.Ltmp4, $4  }
0x45: {  	[tilespmem:s18+$0x160A0] =	vst v3  }
0x46: {  	[tilespmem:s18+$0xE1B0] =	vst v3  }
0x47: {  	[tilespmem:s18+$0x160B0] =	vst v3  }
0x48: {  	[tilespmem:s18+$0xE1C0] =	vst v3;
	s19 =	simm.s32 $0x0;
	s20 =	simm.s32 $0x0;
	s18 =	spop (v2sf)  }
.LBB2_36:
0x49: {  	s20 =	sadd.s32 $0x1, s20  }
0x4a: {  	s21 =	smul.u32 $0x1FA40, s21;
	p0 =	sne.s32 s20, $0x10  }
.Ltmp5:
0x4b: {  	_ = 	snop;
	(pc) =	sbr.rel @!p0 .LBB2_37-.Ltmp5, $4  }
0x4c: {  	s21 =	sadd.s32 s5, s21  }
0x4d: {  	s21 =	sshrl.u32 s21, $0x3  }
0x4e: {  	s21 =	sadd.s32 s3, s21  }
0x4f: {  	[hbm4b:s21+s4] =	stream.linear.scatter [tilespmem:s15], [sflag:$0x2], $0x7E90, $0x38;
	[tilespmem:$0x1DF80] =	vst v63  }
.LBB2_6:
0x50: {  	s21 =	sshll.u32 s20, $0x1  }
0x51: {  	p0 =	seq.s32 s20, $0x0;
	s21 =	sadd.s32 s7, s21  }
0x52: {  	s22 =	simm.s32 @!p0 $0x1;
	s21 =	sor.u32 s9, s21  }
0x53: {  	_ =	swait.ge @!p0 [sflag:s22], $0x7E90;
	s23 =	smul.u32 $0x960, s21  }
0x54: {  	[sflag:s22] =	ssyncset.done @!p0 $0x0  }
.Ltmp6:
0x55: {  	[sflag:s22] =	ssyncadd.s32 @!p0 $0xFFFF8170;
	s31 =	sadd.s32 s1, s23;
	(pc) =	sbr.rel @!p0 .LBB2_7-.Ltmp6, $4  }
0x56: {  	[tilespmem:s13], [sflag:$0x3] =	stream.linear.gather [hbm4b:s31+s19], $0x4B00, $0x38;
	[tilespmem:$0x1DF80] =	vst v63  }
0x57: {  	_ =	swait.ge [sflag:s11], $0x4B00  }
0x58: {  	s24 =	simm.s32 $0x0;
	[sflag:s11] =	ssyncset.done $0x0  }
0x59: {  	s22 =	simm.s32 $0x4B00;
	s23 =	simm.s32 $0x0;
	[sflag:s11] =	ssyncadd.s32 $0xFFFFB500  }
.LBB2_12:
.Ltmp7:
0x5a: {  	(pc) =	sbr.rel .LBB2_13-.Ltmp7, $2  }
0x5b: {  	_ =	sdelay $0x2  }
0x5c: {  	s22 =	simm.s32 $0x4B00;
	s23 =	simm.s32 $0x0;
	s24 =	simm.s32 $0x0  }
.LBB2_20:
0x5d: {  	s24 =	sadd.s32 $0x1, s24  }
0x5e: {  	p1 =	sne.s32 s24, $0x14  }
.Ltmp8:
0x5f: {  	_ = 	snop;
	(pc) =	sbr.rel @!p1 .LBB2_21-.Ltmp8, $2  }
0x60: {  	_ =	sdelay $0x2  }
0x61: {  	s22 =	sadd.s32 $0x3C0, s22;
	s23 =	sadd.s32 $0x3C0, s23  }
.LBB2_13:
0x62: {  	s25 =	smul.u32 $0x3C0, s24;
	_ =	sdelay $0x1  }
0x63: {  	p1 =	sge.s32 s25, s18  }
.Ltmp9:
0x64: {  	_ = 	snop;
	(pc) =	sbr.rel @p1 .LBB2_20-.Ltmp9, $1  }
0x65: {  	_ =	sdelay $0x3  }
0x66: {  	s25 =	sadd.s32 $0x0, s22  }
0x67: {  	v5 =	vld [tilespmem:s25+$0x0];
	_ =	sdelay $0x2  }
0x68: {  	v6 =	vor.u32 s23, v1  }
0x69: {  	vm2 =	vlt.s32 v6, v4  }
0x6a: {  	v7 =	vand.u32 $0x7FFF, v5  }
0x6b: {  	v6 =	vshra.s32 v5, $0xF;
	_ =	sdelay $0x3  }
0x6c: {  	v5 =	vld.idx.msk [tilespmem:v7+s13+$0x0], vm2  }
0x6d: {  	v7 =	vld.idx.msk [tilespmem:v6+s14+$0x0], vm2;
	_ =	sdelay $0x1  }
0x6e: {  	vm1 =	vmmov vm2;
	_ =	sdelay $0x2  }
0x6f: {  	v7 =	vmax.f32 v7, v5  }
0x70: {  	s28 =	sadd.s32 $0x10, s22;
	s26 =	simm.s32 $0x80;
	s25 =	smov.u32 s23;
	[tilespmem:v6+s14+$0x0] =	vst.idx.msk vm2, v7;
	vm2 =	vmmov vm0  }
.LBB2_15:
0x71: {  	p1 =	sne.s32 s26, $0xEC0;
	v7 =	vld [tilespmem:s28+$0x0]  }
0x72: {  	v8 =	vld.idx.msk [tilespmem:v6+s14+$0x0], vm1  }
0x73: {  	s25 =	sadd.s32 $0x10, s25  }
0x74: {  	v6 =	vor.u32 s25, v1  }
0x75: {  	vm3 =	vlt.s32 v6, v4  }
0x76: {  	v9 =	vand.u32 $0x7FFF, v7  }
0x77: {  	v6 =	vshra.s32 v7, $0xF  }
0x78: {  	vm4 =	vlt.f32 v8, v5  }
0x79: {  	vm4 =	vmand vm1, vm4;
	vm1 =	vmmov vm3  }
0x7a: {  	vm2 =	vmor vm2, vm4  }
0x7b: {  	v5 =	vld.idx.msk [tilespmem:v9+s13+$0x0], vm3  }
0x7c: {  	v7 =	vld.idx.msk [tilespmem:v6+s14+$0x0], vm3;
	_ =	sdelay $0x2  }
.Ltmp10:
0x7d: {  	(pc) =	sbr.rel @p1 .LBB2_15-.Ltmp10, $3  }
0x7e: {  	_ =	sdelay $0x1  }
0x7f: {  	s28 =	sshra.s32 s26, $0x2;
	v7 =	vmax.f32 v7, v5  }
0x80: {  	s26 =	sadd.s32 $0x40, s26;
	s28 =	sadd.s32 s28, s22;
	[tilespmem:v6+s14+$0x0] =	vst.idx.msk vm3, v7  }
0x81: {  	v7 =	vld [tilespmem:s28+$0x0];
	_ =	sdelay $0x1  }
0x82: {  	s25 =	sadd.s32 $0x10, s25  }
0x83: {  	v8 =	vor.u32 s25, v1  }
0x84: {  	vm3 =	vlt.s32 v8, v4  }
0x85: {  	v63 =	vand.u32 $0x7FFF, v7  }
0x86: {  	v7 =	vshra.s32 v7, $0xF;
	_ =	sdelay $0x3  }
0x87: {  	v8 =	vld.idx.msk [tilespmem:v63+s13+$0x0], vm3  }
0x88: {  	v9 =	vld.idx.msk [tilespmem:v7+s14+$0x0], vm3;
	_ =	sdelay $0x4  }
0x89: {  	v9 =	vmax.f32 v9, v8  }
0x8a: {  	v6 =	vld.idx.msk [tilespmem:v6+s14+$0x0], vm1;
	[tilespmem:v7+s14+$0x0] =	vst.idx.msk vm3, v9  }
0x8b: {  	v7 =	vld.idx.msk [tilespmem:v7+s14+$0x0], vm3;
	_ =	sdelay $0x3  }
0x8c: {  	vm4 =	vmmov vm3;
	vm3 =	vlt.f32 v6, v5  }
0x8d: {  	vm1 =	vmand vm1, vm3;
	vm3 =	vlt.f32 v7, v8  }
0x8e: {  	vm1 =	vmor vm2, vm1;
	vm2 =	vmand vm4, vm3  }
0x8f: {  	vm1 =	vmor vm1, vm2  }
0x90: {  	v5 =	vsel vm1, $0x3F800000, v3  }
0x91: {  	(xrf0) =	vmax.scan.msk.f32 $0xffff, v5;
	_ =	sdelay $0x5  }
0x92: {  	v5, _, _ =	vpop (xrf0)  }
0x93: {  	(v2sf) =	vpush v5, $0xF;
	_ =	sdelay $0xe  }
0x94: {  	s31 =	spop (v2sf)  }
0x95: {  	p1 =	sgt.f32 s31, $0.0e+00  }
.Ltmp11:
0x96: {  	_ = 	snop;
	(pc) =	sbr.rel @!p1 .LBB2_20-.Ltmp11, $4  }
.Ltmp12:
0x97: {  	_ = 	snop;
	(pc) =	sbr.rel @p1 .LBB2_17-.Ltmp12, $4  }
0x98: {  	_ = 	snop  }
0x99: {  	_ = 	snop  }
0x9a: {  	s26 =	smov.u32 s23;
	s25 =	simm.s32 $0x0  }
0x9b: {  	_ = 	snop  }
.LBB2_19:
0x9c: {  	s25 =	sadd.s32 $0x40, s25  }
0x9d: {  	p1 =	sne.s32 s25, $0xF00  }
.Ltmp13:
0x9e: {  	_ = 	snop;
	(pc) =	sbr.rel @!p1 .LBB2_20-.Ltmp13, $2  }
0x9f: {  	_ =	sdelay $0x2  }
0xa0: {  	s26 =	sadd.s32 $0x10, s26  }
.LBB2_17:
0xa1: {  	s28 =	sshra.s32 s25, $0x2  }
0xa2: {  	s28 =	sadd.s32 s28, s22  }
0xa3: {  	v5 =	vld [tilespmem:s28+$0x0];
	_ =	sdelay $0x2  }
0xa4: {  	v6 =	vor.u32 s26, v1  }
0xa5: {  	vm1 =	vlt.s32 v6, v4  }
0xa6: {  	v6 =	vand.u32 $0x7FFF, v5  }
0xa7: {  	v5 =	vshra.s32 v5, $0xF;
	_ =	sdelay $0x3  }
0xa8: {  	v6 =	vld.idx.msk [tilespmem:v6+s13+$0x0], vm1  }
0xa9: {  	v7 =	vld.idx.msk [tilespmem:v5+s14+$0x0], vm1;
	_ =	sdelay $0x4  }
0xaa: {  	vm2 =	vlt.f32 v7, v6  }
0xab: {  	vm1 =	vmand vm1, vm2  }
0xac: {  	v7 =	vsel vm1, $0x3F800000, v3  }
0xad: {  	(xrf0) =	vmax.scan.msk.f32 $0xffff, v7;
	_ =	sdelay $0x5  }
0xae: {  	v7, _, _ =	vpop (xrf0)  }
0xaf: {  	(v2sf) =	vpush v7, $0xF;
	_ =	sdelay $0xe  }
0xb0: {  	s31 =	spop (v2sf)  }
0xb1: {  	p1 =	sgt.f32 s31, $0.0e+00  }
.Ltmp14:
0xb2: {  	_ = 	snop;
	(pc) =	sbr.rel @!p1 .LBB2_19-.Ltmp14, $1  }
0xb3: {  	_ =	sdelay $0x3  }
0xb4: {  	_ =	sdelay $0x4  }
0xb5: {  	v7 =	vld.idx.msk [tilespmem:v5+s14+$0x0], vm1;
	_ =	sdelay $0x4  }
0xb6: {  	v7 =	vmax.f32 v7, v6  }
0xb7: {  	[tilespmem:v5+s14+$0x0] =	vst.idx.msk vm1, v7  }
0xb8: {  	v7 =	vld.idx.msk [tilespmem:v5+s14+$0x0], vm1;
	_ =	sdelay $0x4  }
0xb9: {  	vm2 =	vlt.f32 v7, v6  }
0xba: {  	vm1 =	vmand vm1, vm2;
	_ =	sdelay $0x5  }
0xbb: {  	v7 =	vld.idx.msk [tilespmem:v5+s14+$0x0], vm1;
	_ =	sdelay $0x4  }
0xbc: {  	v7 =	vmax.f32 v7, v6  }
0xbd: {  	[tilespmem:v5+s14+$0x0] =	vst.idx.msk vm1, v7  }
0xbe: {  	v7 =	vld.idx.msk [tilespmem:v5+s14+$0x0], vm1;
	_ =	sdelay $0x4  }
0xbf: {  	vm2 =	vlt.f32 v7, v6  }
0xc0: {  	vm1 =	vmand vm1, vm2;
	_ =	sdelay $0x5  }
0xc1: {  	v7 =	vld.idx.msk [tilespmem:v5+s14+$0x0], vm1;
	_ =	sdelay $0x4  }
0xc2: {  	v7 =	vmax.f32 v7, v6  }
0xc3: {  	[tilespmem:v5+s14+$0x0] =	vst.idx.msk vm1, v7  }
0xc4: {  	v7 =	vld.idx.msk [tilespmem:v5+s14+$0x0], vm1;
	_ =	sdelay $0x4  }
0xc5: {  	vm2 =	vlt.f32 v7, v6  }
0xc6: {  	vm1 =	vmand vm1, vm2;
	_ =	sdelay $0x5  }
0xc7: {  	v7 =	vld.idx.msk [tilespmem:v5+s14+$0x0], vm1;
	_ =	sdelay $0x4  }
0xc8: {  	v7 =	vmax.f32 v7, v6  }
0xc9: {  	[tilespmem:v5+s14+$0x0] =	vst.idx.msk vm1, v7  }
0xca: {  	v7 =	vld.idx.msk [tilespmem:v5+s14+$0x0], vm1;
	_ =	sdelay $0x4  }
0xcb: {  	vm2 =	vlt.f32 v7, v6  }
0xcc: {  	vm1 =	vmand vm1, vm2;
	_ =	sdelay $0x5  }
0xcd: {  	v7 =	vld.idx.msk [tilespmem:v5+s14+$0x0], vm1;
	_ =	sdelay $0x4  }
0xce: {  	v7 =	vmax.f32 v7, v6  }
0xcf: {  	[tilespmem:v5+s14+$0x0] =	vst.idx.msk vm1, v7  }
0xd0: {  	v7 =	vld.idx.msk [tilespmem:v5+s14+$0x0], vm1;
	_ =	sdelay $0x4  }
0xd1: {  	vm2 =	vlt.f32 v7, v6  }
0xd2: {  	vm1 =	vmand vm1, vm2;
	_ =	sdelay $0x5  }
0xd3: {  	v7 =	vld.idx.msk [tilespmem:v5+s14+$0x0], vm1;
	_ =	sdelay $0x4  }
0xd4: {  	v7 =	vmax.f32 v7, v6  }
0xd5: {  	[tilespmem:v5+s14+$0x0] =	vst.idx.msk vm1, v7  }
0xd6: {  	v7 =	vld.idx.msk [tilespmem:v5+s14+$0x0], vm1;
	_ =	sdelay $0x4  }
0xd7: {  	vm2 =	vlt.f32 v7, v6  }
0xd8: {  	vm1 =	vmand vm1, vm2;
	_ =	sdelay $0x5  }
0xd9: {  	v7 =	vld.idx.msk [tilespmem:v5+s14+$0x0], vm1;
	_ =	sdelay $0x4  }
0xda: {  	v7 =	vmax.f32 v7, v6  }
0xdb: {  	[tilespmem:v5+s14+$0x0] =	vst.idx.msk vm1, v7  }
0xdc: {  	v7 =	vld.idx.msk [tilespmem:v5+s14+$0x0], vm1;
	_ =	sdelay $0x4  }
0xdd: {  	vm2 =	vlt.f32 v7, v6  }
0xde: {  	vm1 =	vmand vm1, vm2;
	_ =	sdelay $0x5  }
0xdf: {  	v7 =	vld.idx.msk [tilespmem:v5+s14+$0x0], vm1;
	_ =	sdelay $0x4  }
0xe0: {  	v7 =	vmax.f32 v7, v6  }
0xe1: {  	[tilespmem:v5+s14+$0x0] =	vst.idx.msk vm1, v7  }
0xe2: {  	v7 =	vld.idx.msk [tilespmem:v5+s14+$0x0], vm1;
	_ =	sdelay $0x4  }
0xe3: {  	vm2 =	vlt.f32 v7, v6  }
0xe4: {  	vm1 =	vmand vm1, vm2;
	_ =	sdelay $0x5  }
0xe5: {  	v7 =	vld.idx.msk [tilespmem:v5+s14+$0x0], vm1;
	_ =	sdelay $0x4  }
0xe6: {  	v7 =	vmax.f32 v7, v6  }
0xe7: {  	[tilespmem:v5+s14+$0x0] =	vst.idx.msk vm1, v7  }
0xe8: {  	v7 =	vld.idx.msk [tilespmem:v5+s14+$0x0], vm1;
	_ =	sdelay $0x4  }
0xe9: {  	vm2 =	vlt.f32 v7, v6  }
0xea: {  	vm1 =	vmand vm1, vm2;
	_ =	sdelay $0x5  }
0xeb: {  	v7 =	vld.idx.msk [tilespmem:v5+s14+$0x0], vm1;
	_ =	sdelay $0x4  }
0xec: {  	v7 =	vmax.f32 v7, v6  }
0xed: {  	[tilespmem:v5+s14+$0x0] =	vst.idx.msk vm1, v7  }
0xee: {  	v7 =	vld.idx.msk [tilespmem:v5+s14+$0x0], vm1;
	_ =	sdelay $0x4  }
0xef: {  	vm2 =	vlt.f32 v7, v6  }
0xf0: {  	vm1 =	vmand vm1, vm2;
	_ =	sdelay $0x5  }
0xf1: {  	v7 =	vld.idx.msk [tilespmem:v5+s14+$0x0], vm1;
	_ =	sdelay $0x4  }
0xf2: {  	v7 =	vmax.f32 v7, v6  }
0xf3: {  	[tilespmem:v5+s14+$0x0] =	vst.idx.msk vm1, v7  }
0xf4: {  	v7 =	vld.idx.msk [tilespmem:v5+s14+$0x0], vm1;
	_ =	sdelay $0x4  }
0xf5: {  	vm2 =	vlt.f32 v7, v6  }
0xf6: {  	vm1 =	vmand vm1, vm2;
	_ =	sdelay $0x5  }
0xf7: {  	v7 =	vld.idx.msk [tilespmem:v5+s14+$0x0], vm1;
	_ =	sdelay $0x4  }
0xf8: {  	v7 =	vmax.f32 v7, v6  }
0xf9: {  	[tilespmem:v5+s14+$0x0] =	vst.idx.msk vm1, v7  }
0xfa: {  	v7 =	vld.idx.msk [tilespmem:v5+s14+$0x0], vm1;
	_ =	sdelay $0x4  }
0xfb: {  	vm2 =	vlt.f32 v7, v6  }
0xfc: {  	vm1 =	vmand vm1, vm2;
	_ =	sdelay $0x5  }
0xfd: {  	v7 =	vld.idx.msk [tilespmem:v5+s14+$0x0], vm1;
	_ =	sdelay $0x4  }
0xfe: {  	v7 =	vmax.f32 v7, v6  }
0xff: {  	[tilespmem:v5+s14+$0x0] =	vst.idx.msk vm1, v7  }
0x100: {  	v7 =	vld.idx.msk [tilespmem:v5+s14+$0x0], vm1;
	_ =	sdelay $0x4  }
0x101: {  	vm2 =	vlt.f32 v7, v6  }
0x102: {  	vm1 =	vmand vm1, vm2;
	_ =	sdelay $0x5  }
0x103: {  	v7 =	vld.idx.msk [tilespmem:v5+s14+$0x0], vm1;
	_ =	sdelay $0x4  }
0x104: {  	v7 =	vmax.f32 v7, v6  }
0x105: {  	[tilespmem:v5+s14+$0x0] =	vst.idx.msk vm1, v7  }
0x106: {  	v7 =	vld.idx.msk [tilespmem:v5+s14+$0x0], vm1;
	_ =	sdelay $0x4  }
0x107: {  	vm2 =	vlt.f32 v7, v6  }
0x108: {  	vm1 =	vmand vm1, vm2;
	_ =	sdelay $0x5  }
0x109: {  	v7 =	vld.idx.msk [tilespmem:v5+s14+$0x0], vm1;
	_ =	sdelay $0x4  }
0x10a: {  	v7 =	vmax.f32 v7, v6  }
0x10b: {  	[tilespmem:v5+s14+$0x0] =	vst.idx.msk vm1, v7  }
0x10c: {  	v7 =	vld.idx.msk [tilespmem:v5+s14+$0x0], vm1;
	_ =	sdelay $0x4  }
0x10d: {  	vm2 =	vlt.f32 v7, v6  }
0x10e: {  	vm1 =	vmand vm1, vm2;
	_ =	sdelay $0x5  }
0x10f: {  	v7 =	vld.idx.msk [tilespmem:v5+s14+$0x0], vm1;
	_ =	sdelay $0x1  }
.Ltmp15:
0x110: {  	_ = 	snop;
	(pc) =	sbr.rel .LBB2_19-.Ltmp15, $3  }
0x111: {  	_ =	sdelay $0x1  }
0x112: {  	v6 =	vmax.f32 v7, v6  }
0x113: {  	[tilespmem:v5+s14+$0x0] =	vst.idx.msk vm1, v6  }
.LBB2_11:
0x114: {  	s24 =	sadd.s32 $0x1, s24  }
0x115: {  	p1 =	sne.s32 s24, $0x14  }
.Ltmp16:
0x116: {  	_ = 	snop;
	(pc) =	sbr.rel @!p1 .LBB2_12-.Ltmp16, $2  }
0x117: {  	_ =	sdelay $0x2  }
0x118: {  	s22 =	sadd.s32 $0x3C0, s22;
	s23 =	sadd.s32 $0x3C0, s23  }
.LBB2_7:
0x119: {  	s25 =	smul.u32 $0x3C0, s24;
	_ =	sdelay $0x1  }
0x11a: {  	p1 =	sge.s32 s25, s18  }
.Ltmp17:
0x11b: {  	_ = 	snop;
	(pc) =	sbr.rel @p1 .LBB2_11-.Ltmp17, $2  }
0x11c: {  	_ =	sdelay $0x2  }
0x11d: {  	s25 =	simm.s32 $0x0  }
0x11e: {  	s26 =	sshra.s32 s25, $0x2  }
0x11f: {  	s26 =	sadd.s32 s26, s22  }
0x120: {  	v5 =	vld [tilespmem:s26+$0x0];
	_ =	sdelay $0x2  }
0x121: {  	v6 =	vor.u32 s23, v1  }
0x122: {  	vm1 =	vlt.s32 v6, v4  }
0x123: {  	v5 =	vshra.s32 v5, $0xF;
	_ =	sdelay $0x2  }
0x124: {  	s31 =	sadd.s32 $0x40, s25  }
0x125: {  	s25 =	smov.u32 s23;
	s28 =	sshra.s32 s31, $0x2;
	s26 =	sadd.s32 $0x40, s31  }
.LBB2_9:
0x126: {  	p1 =	sne.s32 s26, $0xEC0;
	s28 =	sadd.s32 s28, s22;
	[tilespmem:v5+s14+$0x0] =	vst.idx.msk vm1, v3  }
0x127: {  	v5 =	vld [tilespmem:s28+$0x0];
	_ =	sdelay $0x1  }
0x128: {  	s25 =	sadd.s32 $0x10, s25  }
0x129: {  	v6 =	vor.u32 s25, v1  }
0x12a: {  	vm1 =	vlt.s32 v6, v4  }
.Ltmp18:
0x12b: {  	v5 =	vshra.s32 v5, $0xF;
	(pc) =	sbr.rel @p1 .LBB2_9-.Ltmp18, $2  }
0x12c: {  	_ =	sdelay $0x2  }
0x12d: {  	s28 =	sshra.s32 s26, $0x2;
	s26 =	sadd.s32 $0x40, s26  }
0x12e: {  	_ =	sdelay $0x4  }
0x12f: {  	s26 =	sadd.s32 s28, s22;
	[tilespmem:v5+s14+$0x0] =	vst.idx.msk vm1, v3  }
0x130: {  	v5 =	vld [tilespmem:s26+$0x0];
	_ =	sdelay $0x1  }
0x131: {  	s25 =	sadd.s32 $0x10, s25  }
0x132: {  	v6 =	vor.u32 s25, v1  }
0x133: {  	vm1 =	vlt.s32 v6, v4  }
0x134: {  	v5 =	vshra.s32 v5, $0xF  }
.Ltmp19:
0x135: {  	_ = 	snop;
	(pc) =	sbr.rel .LBB2_11-.Ltmp19, $2  }
0x136: {  	_ =	sdelay $0x2  }
0x137: {  	[tilespmem:v5+s14+$0x0] =	vst.idx.msk vm1, v3  }
.LBB2_21:
0x138: {  	s22 =	smul.u32 $0x1FA40, s21;
	_ =	sdelay $0x1  }
0x139: {  	s22 =	sadd.s32 s5, s22  }
0x13a: {  	s22 =	sshrl.u32 s22, $0x3  }
0x13b: {  	s21 =	sor.u32 $0x1, s21;
	s22 =	sadd.s32 s3, s22  }
0x13c: {  	[hbm4b:s22+s4] =	stream.linear.scatter [tilespmem:s14], [sflag:$0x1], $0x7E90, $0x38;
	[tilespmem:$0x1DF80] =	vst v63  }
0x13d: {  	s23 =	smul.u32 $0x960, s21;
	s22 =	simm.s32 @!p0 $0x2  }
0x13e: {  	_ =	swait.ge @!p0 [sflag:s22], $0x7E90  }
0x13f: {  	s23 =	sadd.s32 s1, s23;
	[sflag:s22] =	ssyncset.done @!p0 $0x0  }
.Ltmp20:
0x140: {  	[sflag:s22] =	ssyncadd.s32 @!p0 $0xFFFF8170;
	s22 =	simm.s32 $0x0;
	(pc) =	sbr.rel @!p0 .LBB2_22-.Ltmp20, $4  }
0x141: {  	[tilespmem:s13], [sflag:$0x3] =	stream.linear.gather [hbm4b:s23+s22], $0x4B00, $0x38;
	[tilespmem:$0x1DF80] =	vst v63  }
0x142: {  	_ =	swait.ge [sflag:s11], $0x4B00  }
0x143: {  	s24 =	simm.s32 $0x0;
	[sflag:s11] =	ssyncset.done $0x0  }
0x144: {  	s25 =	simm.s32 $0x0;
	s23 =	simm.s32 $0x4B00;
	[sflag:s11] =	ssyncadd.s32 $0xFFFFB500  }
.LBB2_27:
.Ltmp21:
0x145: {  	(pc) =	sbr.rel .LBB2_28-.Ltmp21, $2  }
0x146: {  	_ =	sdelay $0x2  }
0x147: {  	s22 =	simm.s32 $0x4B00;
	s23 =	simm.s32 $0x0;
	s24 =	simm.s32 $0x0  }
.LBB2_35:
0x148: {  	s24 =	sadd.s32 $0x1, s24  }
0x149: {  	p0 =	sne.s32 s24, $0x14  }
.Ltmp22:
0x14a: {  	_ = 	snop;
	(pc) =	sbr.rel @!p0 .LBB2_36-.Ltmp22, $2  }
0x14b: {  	_ =	sdelay $0x2  }
0x14c: {  	s22 =	sadd.s32 $0x3C0, s22;
	s23 =	sadd.s32 $0x3C0, s23  }
.LBB2_28:
0x14d: {  	s25 =	smul.u32 $0x3C0, s24;
	_ =	sdelay $0x1  }
0x14e: {  	p0 =	sge.s32 s25, s18  }
.Ltmp23:
0x14f: {  	_ = 	snop;
	(pc) =	sbr.rel @p0 .LBB2_35-.Ltmp23, $1  }
0x150: {  	_ =	sdelay $0x3  }
0x151: {  	s25 =	sadd.s32 $0x0, s22  }
0x152: {  	v5 =	vld [tilespmem:s25+$0x0];
	_ =	sdelay $0x2  }
0x153: {  	v6 =	vor.u32 s23, v1  }
0x154: {  	vm2 =	vlt.s32 v6, v4  }
0x155: {  	v7 =	vand.u32 $0x7FFF, v5  }
0x156: {  	v6 =	vshra.s32 v5, $0xF;
	_ =	sdelay $0x3  }
0x157: {  	v5 =	vld.idx.msk [tilespmem:v7+s13+$0x0], vm2  }
0x158: {  	v7 =	vld.idx.msk [tilespmem:v6+s15+$0x0], vm2;
	_ =	sdelay $0x1  }
0x159: {  	vm1 =	vmmov vm2;
	_ =	sdelay $0x2  }
0x15a: {  	v7 =	vmax.f32 v7, v5  }
0x15b: {  	s28 =	sadd.s32 $0x10, s22;
	s26 =	simm.s32 $0x80;
	s25 =	smov.u32 s23;
	[tilespmem:v6+s15+$0x0] =	vst.idx.msk vm2, v7;
	vm2 =	vmmov vm0  }
.LBB2_30:
0x15c: {  	p0 =	sne.s32 s26, $0xEC0;
	v7 =	vld [tilespmem:s28+$0x0]  }
0x15d: {  	v8 =	vld.idx.msk [tilespmem:v6+s15+$0x0], vm1  }
0x15e: {  	s25 =	sadd.s32 $0x10, s25  }
0x15f: {  	v6 =	vor.u32 s25, v1  }
0x160: {  	vm3 =	vlt.s32 v6, v4  }
0x161: {  	v9 =	vand.u32 $0x7FFF, v7  }
0x162: {  	v6 =	vshra.s32 v7, $0xF  }
0x163: {  	vm4 =	vlt.f32 v8, v5  }
0x164: {  	vm4 =	vmand vm1, vm4;
	vm1 =	vmmov vm3  }
0x165: {  	vm2 =	vmor vm2, vm4  }
0x166: {  	v5 =	vld.idx.msk [tilespmem:v9+s13+$0x0], vm3  }
0x167: {  	v7 =	vld.idx.msk [tilespmem:v6+s15+$0x0], vm3;
	_ =	sdelay $0x2  }
.Ltmp24:
0x168: {  	(pc) =	sbr.rel @p0 .LBB2_30-.Ltmp24, $3  }
0x169: {  	_ =	sdelay $0x1  }
0x16a: {  	s28 =	sshra.s32 s26, $0x2;
	v7 =	vmax.f32 v7, v5  }
0x16b: {  	s26 =	sadd.s32 $0x40, s26;
	s28 =	sadd.s32 s28, s22;
	[tilespmem:v6+s15+$0x0] =	vst.idx.msk vm3, v7  }
0x16c: {  	v7 =	vld [tilespmem:s28+$0x0];
	_ =	sdelay $0x1  }
0x16d: {  	s25 =	sadd.s32 $0x10, s25  }
0x16e: {  	v8 =	vor.u32 s25, v1  }
0x16f: {  	vm3 =	vlt.s32 v8, v4  }
0x170: {  	v63 =	vand.u32 $0x7FFF, v7  }
0x171: {  	v7 =	vshra.s32 v7, $0xF;
	_ =	sdelay $0x3  }
0x172: {  	v8 =	vld.idx.msk [tilespmem:v63+s13+$0x0], vm3  }
0x173: {  	v9 =	vld.idx.msk [tilespmem:v7+s15+$0x0], vm3;
	_ =	sdelay $0x4  }
0x174: {  	v9 =	vmax.f32 v9, v8  }
0x175: {  	v6 =	vld.idx.msk [tilespmem:v6+s15+$0x0], vm1;
	[tilespmem:v7+s15+$0x0] =	vst.idx.msk vm3, v9  }
0x176: {  	v7 =	vld.idx.msk [tilespmem:v7+s15+$0x0], vm3;
	_ =	sdelay $0x3  }
0x177: {  	vm4 =	vmmov vm3;
	vm3 =	vlt.f32 v6, v5  }
0x178: {  	vm1 =	vmand vm1, vm3;
	vm3 =	vlt.f32 v7, v8  }
0x179: {  	vm1 =	vmor vm2, vm1;
	vm2 =	vmand vm4, vm3  }
0x17a: {  	vm1 =	vmor vm1, vm2  }
0x17b: {  	v5 =	vsel vm1, $0x3F800000, v3  }
0x17c: {  	(xrf0) =	vmax.scan.msk.f32 $0xffff, v5;
	_ =	sdelay $0x5  }
0x17d: {  	v5, _, _ =	vpop (xrf0)  }
0x17e: {  	(v2sf) =	vpush v5, $0xF;
	_ =	sdelay $0xe  }
0x17f: {  	s31 =	spop (v2sf)  }
0x180: {  	p0 =	sgt.f32 s31, $0.0e+00  }
.Ltmp25:
0x181: {  	_ = 	snop;
	(pc) =	sbr.rel @!p0 .LBB2_35-.Ltmp25, $4  }
.Ltmp26:
0x182: {  	_ = 	snop;
	(pc) =	sbr.rel @p0 .LBB2_32-.Ltmp26, $4  }
0x183: {  	_ = 	snop  }
0x184: {  	_ = 	snop  }
0x185: {  	s26 =	smov.u32 s23;
	s25 =	simm.s32 $0x0  }
0x186: {  	_ = 	snop  }
.LBB2_34:
0x187: {  	s25 =	sadd.s32 $0x40, s25  }
0x188: {  	p0 =	sne.s32 s25, $0xF00  }
.Ltmp27:
0x189: {  	_ = 	snop;
	(pc) =	sbr.rel @!p0 .LBB2_35-.Ltmp27, $2  }
0x18a: {  	_ =	sdelay $0x2  }
0x18b: {  	s26 =	sadd.s32 $0x10, s26  }
.LBB2_32:
0x18c: {  	s28 =	sshra.s32 s25, $0x2  }
0x18d: {  	s28 =	sadd.s32 s28, s22  }
0x18e: {  	v5 =	vld [tilespmem:s28+$0x0];
	_ =	sdelay $0x2  }
0x18f: {  	v6 =	vor.u32 s26, v1  }
0x190: {  	vm1 =	vlt.s32 v6, v4  }
0x191: {  	v6 =	vand.u32 $0x7FFF, v5  }
0x192: {  	v5 =	vshra.s32 v5, $0xF;
	_ =	sdelay $0x3  }
0x193: {  	v6 =	vld.idx.msk [tilespmem:v6+s13+$0x0], vm1  }
0x194: {  	v7 =	vld.idx.msk [tilespmem:v5+s15+$0x0], vm1;
	_ =	sdelay $0x4  }
0x195: {  	vm2 =	vlt.f32 v7, v6  }
0x196: {  	vm1 =	vmand vm1, vm2  }
0x197: {  	v7 =	vsel vm1, $0x3F800000, v3  }
0x198: {  	(xrf0) =	vmax.scan.msk.f32 $0xffff, v7;
	_ =	sdelay $0x5  }
0x199: {  	v7, _, _ =	vpop (xrf0)  }
0x19a: {  	(v2sf) =	vpush v7, $0xF;
	_ =	sdelay $0xe  }
0x19b: {  	s31 =	spop (v2sf)  }
0x19c: {  	p0 =	sgt.f32 s31, $0.0e+00  }
.Ltmp28:
0x19d: {  	_ = 	snop;
	(pc) =	sbr.rel @!p0 .LBB2_34-.Ltmp28, $1  }
0x19e: {  	_ =	sdelay $0x3  }
0x19f: {  	_ =	sdelay $0x4  }
0x1a0: {  	v7 =	vld.idx.msk [tilespmem:v5+s15+$0x0], vm1;
	_ =	sdelay $0x4  }
0x1a1: {  	v7 =	vmax.f32 v7, v6  }
0x1a2: {  	[tilespmem:v5+s15+$0x0] =	vst.idx.msk vm1, v7  }
0x1a3: {  	v7 =	vld.idx.msk [tilespmem:v5+s15+$0x0], vm1;
	_ =	sdelay $0x4  }
0x1a4: {  	vm2 =	vlt.f32 v7, v6  }
0x1a5: {  	vm1 =	vmand vm1, vm2;
	_ =	sdelay $0x5  }
0x1a6: {  	v7 =	vld.idx.msk [tilespmem:v5+s15+$0x0], vm1;
	_ =	sdelay $0x4  }
0x1a7: {  	v7 =	vmax.f32 v7, v6  }
0x1a8: {  	[tilespmem:v5+s15+$0x0] =	vst.idx.msk vm1, v7  }
0x1a9: {  	v7 =	vld.idx.msk [tilespmem:v5+s15+$0x0], vm1;
	_ =	sdelay $0x4  }
0x1aa: {  	vm2 =	vlt.f32 v7, v6  }
0x1ab: {  	vm1 =	vmand vm1, vm2;
	_ =	sdelay $0x5  }
0x1ac: {  	v7 =	vld.idx.msk [tilespmem:v5+s15+$0x0], vm1;
	_ =	sdelay $0x4  }
0x1ad: {  	v7 =	vmax.f32 v7, v6  }
0x1ae: {  	[tilespmem:v5+s15+$0x0] =	vst.idx.msk vm1, v7  }
0x1af: {  	v7 =	vld.idx.msk [tilespmem:v5+s15+$0x0], vm1;
	_ =	sdelay $0x4  }
0x1b0: {  	vm2 =	vlt.f32 v7, v6  }
0x1b1: {  	vm1 =	vmand vm1, vm2;
	_ =	sdelay $0x5  }
0x1b2: {  	v7 =	vld.idx.msk [tilespmem:v5+s15+$0x0], vm1;
	_ =	sdelay $0x4  }
0x1b3: {  	v7 =	vmax.f32 v7, v6  }
0x1b4: {  	[tilespmem:v5+s15+$0x0] =	vst.idx.msk vm1, v7  }
0x1b5: {  	v7 =	vld.idx.msk [tilespmem:v5+s15+$0x0], vm1;
	_ =	sdelay $0x4  }
0x1b6: {  	vm2 =	vlt.f32 v7, v6  }
0x1b7: {  	vm1 =	vmand vm1, vm2;
	_ =	sdelay $0x5  }
0x1b8: {  	v7 =	vld.idx.msk [tilespmem:v5+s15+$0x0], vm1;
	_ =	sdelay $0x4  }
0x1b9: {  	v7 =	vmax.f32 v7, v6  }
0x1ba: {  	[tilespmem:v5+s15+$0x0] =	vst.idx.msk vm1, v7  }
0x1bb: {  	v7 =	vld.idx.msk [tilespmem:v5+s15+$0x0], vm1;
	_ =	sdelay $0x4  }
0x1bc: {  	vm2 =	vlt.f32 v7, v6  }
0x1bd: {  	vm1 =	vmand vm1, vm2;
	_ =	sdelay $0x5  }
0x1be: {  	v7 =	vld.idx.msk [tilespmem:v5+s15+$0x0], vm1;
	_ =	sdelay $0x4  }
0x1bf: {  	v7 =	vmax.f32 v7, v6  }
0x1c0: {  	[tilespmem:v5+s15+$0x0] =	vst.idx.msk vm1, v7  }
0x1c1: {  	v7 =	vld.idx.msk [tilespmem:v5+s15+$0x0], vm1;
	_ =	sdelay $0x4  }
0x1c2: {  	vm2 =	vlt.f32 v7, v6  }
0x1c3: {  	vm1 =	vmand vm1, vm2;
	_ =	sdelay $0x5  }
0x1c4: {  	v7 =	vld.idx.msk [tilespmem:v5+s15+$0x0], vm1;
	_ =	sdelay $0x4  }
0x1c5: {  	v7 =	vmax.f32 v7, v6  }
0x1c6: {  	[tilespmem:v5+s15+$0x0] =	vst.idx.msk vm1, v7  }
0x1c7: {  	v7 =	vld.idx.msk [tilespmem:v5+s15+$0x0], vm1;
	_ =	sdelay $0x4  }
0x1c8: {  	vm2 =	vlt.f32 v7, v6  }
0x1c9: {  	vm1 =	vmand vm1, vm2;
	_ =	sdelay $0x5  }
0x1ca: {  	v7 =	vld.idx.msk [tilespmem:v5+s15+$0x0], vm1;
	_ =	sdelay $0x4  }
0x1cb: {  	v7 =	vmax.f32 v7, v6  }
0x1cc: {  	[tilespmem:v5+s15+$0x0] =	vst.idx.msk vm1, v7  }
0x1cd: {  	v7 =	vld.idx.msk [tilespmem:v5+s15+$0x0], vm1;
	_ =	sdelay $0x4  }
0x1ce: {  	vm2 =	vlt.f32 v7, v6  }
0x1cf: {  	vm1 =	vmand vm1, vm2;
	_ =	sdelay $0x5  }
0x1d0: {  	v7 =	vld.idx.msk [tilespmem:v5+s15+$0x0], vm1;
	_ =	sdelay $0x4  }
0x1d1: {  	v7 =	vmax.f32 v7, v6  }
0x1d2: {  	[tilespmem:v5+s15+$0x0] =	vst.idx.msk vm1, v7  }
0x1d3: {  	v7 =	vld.idx.msk [tilespmem:v5+s15+$0x0], vm1;
	_ =	sdelay $0x4  }
0x1d4: {  	vm2 =	vlt.f32 v7, v6  }
0x1d5: {  	vm1 =	vmand vm1, vm2;
	_ =	sdelay $0x5  }
0x1d6: {  	v7 =	vld.idx.msk [tilespmem:v5+s15+$0x0], vm1;
	_ =	sdelay $0x4  }
0x1d7: {  	v7 =	vmax.f32 v7, v6  }
0x1d8: {  	[tilespmem:v5+s15+$0x0] =	vst.idx.msk vm1, v7  }
0x1d9: {  	v7 =	vld.idx.msk [tilespmem:v5+s15+$0x0], vm1;
	_ =	sdelay $0x4  }
0x1da: {  	vm2 =	vlt.f32 v7, v6  }
0x1db: {  	vm1 =	vmand vm1, vm2;
	_ =	sdelay $0x5  }
0x1dc: {  	v7 =	vld.idx.msk [tilespmem:v5+s15+$0x0], vm1;
	_ =	sdelay $0x4  }
0x1dd: {  	v7 =	vmax.f32 v7, v6  }
0x1de: {  	[tilespmem:v5+s15+$0x0] =	vst.idx.msk vm1, v7  }
0x1df: {  	v7 =	vld.idx.msk [tilespmem:v5+s15+$0x0], vm1;
	_ =	sdelay $0x4  }
0x1e0: {  	vm2 =	vlt.f32 v7, v6  }
0x1e1: {  	vm1 =	vmand vm1, vm2;
	_ =	sdelay $0x5  }
0x1e2: {  	v7 =	vld.idx.msk [tilespmem:v5+s15+$0x0], vm1;
	_ =	sdelay $0x4  }
0x1e3: {  	v7 =	vmax.f32 v7, v6  }
0x1e4: {  	[tilespmem:v5+s15+$0x0] =	vst.idx.msk vm1, v7  }
0x1e5: {  	v7 =	vld.idx.msk [tilespmem:v5+s15+$0x0], vm1;
	_ =	sdelay $0x4  }
0x1e6: {  	vm2 =	vlt.f32 v7, v6  }
0x1e7: {  	vm1 =	vmand vm1, vm2;
	_ =	sdelay $0x5  }
0x1e8: {  	v7 =	vld.idx.msk [tilespmem:v5+s15+$0x0], vm1;
	_ =	sdelay $0x4  }
0x1e9: {  	v7 =	vmax.f32 v7, v6  }
0x1ea: {  	[tilespmem:v5+s15+$0x0] =	vst.idx.msk vm1, v7  }
0x1eb: {  	v7 =	vld.idx.msk [tilespmem:v5+s15+$0x0], vm1;
	_ =	sdelay $0x4  }
0x1ec: {  	vm2 =	vlt.f32 v7, v6  }
0x1ed: {  	vm1 =	vmand vm1, vm2;
	_ =	sdelay $0x5  }
0x1ee: {  	v7 =	vld.idx.msk [tilespmem:v5+s15+$0x0], vm1;
	_ =	sdelay $0x4  }
0x1ef: {  	v7 =	vmax.f32 v7, v6  }
0x1f0: {  	[tilespmem:v5+s15+$0x0] =	vst.idx.msk vm1, v7  }
0x1f1: {  	v7 =	vld.idx.msk [tilespmem:v5+s15+$0x0], vm1;
	_ =	sdelay $0x4  }
0x1f2: {  	vm2 =	vlt.f32 v7, v6  }
0x1f3: {  	vm1 =	vmand vm1, vm2;
	_ =	sdelay $0x5  }
0x1f4: {  	v7 =	vld.idx.msk [tilespmem:v5+s15+$0x0], vm1;
	_ =	sdelay $0x4  }
0x1f5: {  	v7 =	vmax.f32 v7, v6  }
0x1f6: {  	[tilespmem:v5+s15+$0x0] =	vst.idx.msk vm1, v7  }
0x1f7: {  	v7 =	vld.idx.msk [tilespmem:v5+s15+$0x0], vm1;
	_ =	sdelay $0x4  }
0x1f8: {  	vm2 =	vlt.f32 v7, v6  }
0x1f9: {  	vm1 =	vmand vm1, vm2;
	_ =	sdelay $0x5  }
0x1fa: {  	v7 =	vld.idx.msk [tilespmem:v5+s15+$0x0], vm1;
	_ =	sdelay $0x1  }
.Ltmp29:
0x1fb: {  	_ = 	snop;
	(pc) =	sbr.rel .LBB2_34-.Ltmp29, $3  }
0x1fc: {  	_ =	sdelay $0x1  }
0x1fd: {  	v6 =	vmax.f32 v7, v6  }
0x1fe: {  	[tilespmem:v5+s15+$0x0] =	vst.idx.msk vm1, v6  }
.LBB2_26:
0x1ff: {  	s25 =	sadd.s32 $0x1, s25  }
0x200: {  	p0 =	sne.s32 s25, $0x14  }
.Ltmp30:
0x201: {  	_ = 	snop;
	(pc) =	sbr.rel @!p0 .LBB2_27-.Ltmp30, $2  }
0x202: {  	_ =	sdelay $0x2  }
0x203: {  	s23 =	sadd.s32 $0x3C0, s23;
	s24 =	sadd.s32 $0x3C0, s24  }
.LBB2_22:
0x204: {  	s26 =	smul.u32 $0x3C0, s25;
	_ =	sdelay $0x1  }
0x205: {  	p0 =	sge.s32 s26, s18  }
.Ltmp31:
0x206: {  	_ = 	snop;
	(pc) =	sbr.rel @p0 .LBB2_26-.Ltmp31, $1  }
0x207: {  	_ =	sdelay $0x3  }
0x208: {  	s26 =	sshra.s32 s22, $0x2  }
0x209: {  	s26 =	sadd.s32 s26, s23  }
0x20a: {  	v5 =	vld [tilespmem:s26+$0x0];
	_ =	sdelay $0x2  }
0x20b: {  	v6 =	vor.u32 s24, v1  }
0x20c: {  	vm1 =	vlt.s32 v6, v4  }
0x20d: {  	v5 =	vshra.s32 v5, $0xF;
	_ =	sdelay $0x2  }
0x20e: {  	s31 =	sadd.s32 $0x40, s22  }
0x20f: {  	s29 =	sshra.s32 s31, $0x2;
	s28 =	sadd.s32 $0x40, s31;
	s26 =	smov.u32 s24  }
.LBB2_24:
0x210: {  	p0 =	sne.s32 s28, $0xEC0;
	s29 =	sadd.s32 s29, s23;
	[tilespmem:v5+s15+$0x0] =	vst.idx.msk vm1, v3  }
0x211: {  	v5 =	vld [tilespmem:s29+$0x0];
	_ =	sdelay $0x1  }
0x212: {  	s26 =	sadd.s32 $0x10, s26  }
0x213: {  	v6 =	vor.u32 s26, v1  }
0x214: {  	vm1 =	vlt.s32 v6, v4  }
.Ltmp32:
0x215: {  	v5 =	vshra.s32 v5, $0xF;
	(pc) =	sbr.rel @p0 .LBB2_24-.Ltmp32, $2  }
0x216: {  	_ =	sdelay $0x2  }
0x217: {  	s29 =	sshra.s32 s28, $0x2;
	s28 =	sadd.s32 $0x40, s28  }
0x218: {  	_ =	sdelay $0x4  }
0x219: {  	s28 =	sadd.s32 s29, s23;
	[tilespmem:v5+s15+$0x0] =	vst.idx.msk vm1, v3  }
0x21a: {  	v5 =	vld [tilespmem:s28+$0x0];
	_ =	sdelay $0x1  }
0x21b: {  	s26 =	sadd.s32 $0x10, s26  }
0x21c: {  	v6 =	vor.u32 s26, v1  }
0x21d: {  	vm1 =	vlt.s32 v6, v4  }
0x21e: {  	v5 =	vshra.s32 v5, $0xF  }
.Ltmp33:
0x21f: {  	_ = 	snop;
	(pc) =	sbr.rel .LBB2_26-.Ltmp33, $2  }
0x220: {  	_ =	sdelay $0x2  }
0x221: {  	[tilespmem:v5+s15+$0x0] =	vst.idx.msk vm1, v3  }
.LBB2_38:
0x222: {  	_ =	sfence.sel $0x180000  }
0x223: {  	[bflag:$0x0] =	sbarrier.arrive $0xFFFF  }
0x224: {  	p0 =	sne.s32 s0, $0x0;
	_ =	strace $0x90000047  }
0x225: {  	s0 =	sadd.s32 @!p0 $0x100000, s2;
	[bflag:$0x2] =	sbarrier.arrive $0xFFFF  }
0x226: {  	[sflag:s0] =	ssyncadd.tile.s32 @!p0 $0x1;
	_ =	shalt  }
.Lfunc_end2:
_tile_overlayer_lowered:
.L_overlay_start_2:
0x227: {  	(tag) =	ssettag $0x2  }
0x228: {  	s0 =	rddreg [dreg:$0x0];
	s2 =	stileid.u32  }
0x229: {  	s1 =	rddreg [dreg:$0x1];
	p0 =	sne.s32 s2, $0x0  }
0x22a: {  	s3 =	rddreg [dreg:$0x2];
	[bflag:$0x3] =	sbarrier.arrive $0xFFFF;
	s2 =	simm.s32 @!p0 $0x1C03  }
0x22b: {  	[timem:s3], [sflag:s2] =	dma.local @!p0 [hbm:s0], s1  }
0x22c: {  	s0 =	simm.s32 @!p0 $0x3  }
0x22d: {  	_ =	swait.ge @!p0 [sflag:s0], s1  }
0x22e: {  	s1 =	ssub.s32 @!p0 $0x0, s1;
	[sflag:s0] =	ssyncset.done @!p0 $0x0  }
0x22f: {  	[sflag:s0] =	ssyncadd.s32 @!p0 s1  }
0x230: {  	[bflag:$0x3] =	sbarrier.arrive $0xFFFF  }
0x231: {  	_ =	shalt  }

</sc_bundles>
